<compile_context>
chip_gen: v7x
topology: tpu7x:2x2x1
jax: 0.10.2.dev20260603
libtpu: 0.0.44.dev20260713+nightly
codegen_flags: <defaults>
</compile_context>

<pallas_src>
import functools

import jax
import jax.numpy as jnp
from jax import lax
from jax.experimental import pallas as pl
from jax.experimental.pallas import tpu as pltpu
from jax.experimental.pallas import tpu_sc as plsc

HID = 64
NC, NS = 2, 16
NW = NC * NS
CHUNK = 400
NSLOT = 4

B_DIAG = 4096 * 200
B_PROC = 4096 * 50
B_MED = 4096 * 50
IDX_MAX = B_DIAG // NW


def _relu_rows(rows_v, s):
    def body(r, _):
        for c in range(HID // 16):
            sl = pl.ds(c * 16, 16)
            rows_v[s, r, sl] = jnp.maximum(rows_v[s, r, sl], 0.0)
        return 0
    lax.fori_loop(0, CHUNK, body, 0, unroll=2)


def _branch(idx_hbm, tab_hbm, out_hbm, idx_v, rows_v, gsem, osem,
            wid, total_rows):
    rows_per_w = total_rows // NW
    n_chunks = rows_per_w // CHUNK
    w_base = wid * rows_per_w
    half = total_rows // 2
    lo_worker = wid < (NW // 2)
    p_base = w_base - jnp.where(lo_worker, 0, half)

    pltpu.sync_copy(idx_hbm.at[pl.ds(w_base, rows_per_w)],
                    idx_v.at[pl.ds(0, rows_per_w)])

    def gather(g, s):
        return pltpu.make_async_copy(
            tab_hbm.at[idx_v.at[pl.ds(g * CHUNK, CHUNK)]],
            rows_v.at[s], gsem.at[s])

    def out_copy(g, s, coff):
        return pltpu.make_async_copy(
            rows_v.at[s],
            out_hbm.at[pl.ds(p_base + g * CHUNK, CHUNK), pl.ds(coff, HID)],
            osem.at[s])

    def out_start(g, s):
        @pl.when(lo_worker)
        def _():
            out_copy(g, s, 0).start()

        @pl.when(jnp.logical_not(lo_worker))
        def _():
            out_copy(g, s, HID).start()

    for g in range(NSLOT - 1):
        gather(g, g).start()

    def step(g, _):
        s = lax.rem(g, NSLOT)
        gather(g, s).wait()
        _relu_rows(rows_v, s)
        out_start(g, s)

        @pl.when(g + NSLOT - 1 < n_chunks)
        def _():
            s2 = lax.rem(g + NSLOT - 1, NSLOT)

            @pl.when(g >= 1)
            def _():
                out_copy(g - 1, s2, 0).wait()

            gather(g + NSLOT - 1, s2).start()

        return 0

    lax.fori_loop(0, n_chunks, step, 0)

    for k in range(NSLOT):
        g = n_chunks - NSLOT + k
        out_copy(g, lax.rem(jnp.int32(g), NSLOT), 0).wait()


@functools.partial(
    pl.kernel,
    out_type=(
        jax.ShapeDtypeStruct((B_DIAG // 2, 2 * HID), jnp.float32),
        jax.ShapeDtypeStruct((B_PROC // 2, 2 * HID), jnp.float32),
        jax.ShapeDtypeStruct((B_MED // 2, 2 * HID), jnp.float32),
    ),
    mesh=plsc.VectorSubcoreMesh(core_axis_name="c", subcore_axis_name="s"),
    compiler_params=pltpu.CompilerParams(use_tc_tiling_on_sc=False),
    scratch_types=[
        pltpu.VMEM((IDX_MAX,), jnp.int32),
        pltpu.VMEM((NSLOT, CHUNK, HID), jnp.float32),
        pltpu.SemaphoreType.DMA((NSLOT,)),
        pltpu.SemaphoreType.DMA((NSLOT,)),
    ],
)
def _sc_embed(idx_d, idx_p, idx_m, tab_d, tab_p, tab_m,
              out_d, out_p, out_m, idx_v, rows_v, gsem, osem):
    wid = lax.axis_index("s") * NC + lax.axis_index("c")
    _branch(idx_d, tab_d, out_d, idx_v, rows_v, gsem, osem, wid, B_DIAG)
    _branch(idx_p, tab_p, out_p, idx_v, rows_v, gsem, osem, wid, B_PROC)
    _branch(idx_m, tab_m, out_m, idx_v, rows_v, gsem, osem, wid, B_MED)


def _post_body(x_ref, o_ref):
    t = jax.lax.dot_general(
        jnp.eye(2 * HID, dtype=jnp.float32), x_ref[...],
        (((1,), (1,)), ((), ())), preferred_element_type=jnp.float32)
    m = pl.program_id(1) == 0
    o_ref[...] = jnp.where(m, t[:HID, :], t[HID:, :])


def _make_post(n, bnh=4096):
    hb = (n // 2) // bnh
    return pl.pallas_call(
        _post_body,
        grid=(hb, 2),
        in_specs=[pl.BlockSpec((bnh, 2 * HID), lambda i, h: (i, 0))],
        out_specs=pl.BlockSpec((HID, bnh), lambda i, h, hb=hb: (0, h * hb + i)),
        out_shape=jax.ShapeDtypeStruct((HID, n), jnp.float32),
    )


_post_diag = _make_post(B_DIAG, bnh=8192)
_post_proc = _make_post(B_PROC)
_post_med = _make_post(B_MED)


def _enc_body(x_ref, w_ref, b_ref, o_ref):
    acc = jnp.dot(x_ref[...], w_ref[...], preferred_element_type=jnp.float32)
    o_ref[...] = jnp.maximum(acc + b_ref[...], 0.0)


_enc_call = pl.pallas_call(
    _enc_body,
    out_shape=jax.ShapeDtypeStruct((4096, HID), jnp.float32),
)


@jax.jit
def kernel(encounter, diagnosis, procedure, medication,
           W_enc, b_enc, emb_diag, emb_proc, emb_med):
    out_enc = _enc_call(encounter, W_enc.T, b_enc.reshape(1, HID))
    out_d, out_p, out_m = _sc_embed(
        diagnosis.reshape(-1), procedure.reshape(-1), medication.reshape(-1),
        emb_diag, emb_proc, emb_med)
    return (out_enc, _post_diag(out_d).T, _post_proc(out_p).T,
            _post_med(out_m).T)

# --- scband reference (transcript-rebuilt; emitter-appended) ---
"""Pipeline reference for scband-typewise-input-projector-2302102471075 (READ-ONLY COPY).

The authoritative reference and input builder live on the scoring server;
editing this copy changes nothing except your own understanding.
"""

import jax, jax.numpy as jnp
import numpy as np

HID = 64
VOCAB_DIAG = 100000
VOCAB_PROC = 100000
VOCAB_MED = 1000000


def setup_inputs(seed: int = 0) -> dict:
    key = jax.random.key(seed)
    ks = jax.random.split(key, 9)
    encounter = jax.random.normal(ks[0], (4096, 256), dtype=jnp.float32)
    diagnosis = jax.random.randint(ks[1], (4096, 200), 0, VOCAB_DIAG, dtype=jnp.int32)
    procedure = jax.random.randint(ks[2], (4096, 50), 0, VOCAB_PROC, dtype=jnp.int32)
    medication = jax.random.randint(ks[3], (4096, 50), 0, VOCAB_MED, dtype=jnp.int32)
    W_enc = jax.random.normal(ks[4], (HID, 256), dtype=jnp.float32) * 0.02
    b_enc = jnp.zeros((HID,), dtype=jnp.float32)
    emb_diag = (jax.random.normal(ks[5], (VOCAB_DIAG, HID), dtype=jnp.float32) * 0.02).at[0].set(0.0)
    emb_proc = (jax.random.normal(ks[6], (VOCAB_PROC, HID), dtype=jnp.float32) * 0.02).at[0].set(0.0)
    emb_med = (jax.random.normal(ks[7], (VOCAB_MED, HID), dtype=jnp.float32) * 0.02).at[0].set(0.0)
    return {"encounter": encounter, "diagnosis": diagnosis, "procedure": procedure,
            "medication": medication, "W_enc": W_enc, "b_enc": b_enc,
            "emb_diag": emb_diag, "emb_proc": emb_proc, "emb_med": emb_med}


def _embed_branch(idx, table, num_emb):
    # idx.long().view(-1); safe clamp; padding_idx=0 row forced to zero; no lin layer since emb_dim == hidden_dim
    flat = jnp.clip(idx.reshape(-1).astype(jnp.int32), 0, num_emb - 1)
    t = table.at[0].set(0.0)
    emb = jnp.take(t, flat, axis=0)
    return jax.nn.relu(emb)  # dropout p=0.0 is identity


def reference(encounter, diagnosis, procedure, medication, W_enc, b_enc, emb_diag, emb_proc, emb_med):
    out_enc = jax.nn.relu(encounter @ W_enc.T + b_enc)
    out_diag = _embed_branch(diagnosis, emb_diag, VOCAB_DIAG)
    out_proc = _embed_branch(procedure, emb_proc, VOCAB_PROC)
    out_med = _embed_branch(medication, emb_med, VOCAB_MED)
    return (out_enc, out_diag, out_proc, out_med)

if __name__ == "__main__":
    import jax
    _d = setup_inputs()
    print(jax.jit(kernel)(*tuple(_d.values())))

</pallas_src>

<mosaic_0001>
#map = affine_map<(d0, d1) -> (0)>
#map1 = affine_map<(d0, d1) -> (0, 0)>
module attributes {stable_mosaic.version = 14 : i64} {
  func.func @_sc_embed(%arg0: i32, %arg1: i32, %arg2: memref<819200xi32, #tpu.memory_space<hbm>>, %arg3: memref<204800xi32, #tpu.memory_space<hbm>>, %arg4: memref<204800xi32, #tpu.memory_space<hbm>>, %arg5: memref<100000x64xf32, #tpu.memory_space<hbm>>, %arg6: memref<100000x64xf32, #tpu.memory_space<hbm>>, %arg7: memref<1000000x64xf32, #tpu.memory_space<hbm>>, %arg8: memref<409600x128xf32, #tpu.memory_space<hbm>>, %arg9: memref<102400x128xf32, #tpu.memory_space<hbm>>, %arg10: memref<102400x128xf32, #tpu.memory_space<hbm>>, %arg11: memref<25600xi32, #tpu.memory_space<vmem>>, %arg12: memref<4x400x64xf32, #tpu.memory_space<vmem>>, %arg13: memref<4x!tpu.dma_semaphore, #tpu.memory_space<semaphore_mem>>, %arg14: memref<4x!tpu.dma_semaphore, #tpu.memory_space<semaphore_mem>>) attributes {dimension_semantics = [#tpu.dimension_semantics<core_parallel>, #tpu.dimension_semantics<subcore_parallel>], iteration_bounds = array<i64: 2, 16>, scalar_prefetch = 0 : i64, scratch_operands = 4 : i64, tpu.core_type = #tpu.core_type<sc_vector_subcore>, window_params = [{transform_indices = #map}, {transform_indices = #map}, {transform_indices = #map}, {transform_indices = #map1}, {transform_indices = #map1}, {transform_indices = #map1}, {transform_indices = #map1}, {transform_indices = #map1}, {transform_indices = #map1}]} {
    %mul3A = arith.constant 2 : i32
    %mul3A_0 = arith.muli %arg1, %mul3A : i32
    %add3A = arith.addi %mul3A_0, %arg0 : i32
    %mul3A_1 = arith.constant 25600 : i32
    %mul3A_2 = arith.muli %add3A, %mul3A_1 : i32
    %lt3A = arith.constant 16 : i32
    %lt3A_3 = arith.cmpi slt, %add3A, %lt3A : i32
    %jit3A = arith.constant 0 : i32
    %jit3A_4 = arith.constant 409600 : i32
    %select_n3A = arith.select %lt3A_3, %jit3A, %jit3A_4 : i32
    %sub3A = arith.subi %mul3A_2, %select_n3A : i32
    "tpu.region"() ({
      %run_scoped3A = tpu.sem_alloc : memref<!tpu.dma_semaphore, #tpu.memory_space<semaphore_mem>>
      %dma_start3A_383 = arith.constant 0 : i32
      %dma_start3A_384 = tpu.memref_slice %arg11[%dma_start3A_383] : memref<25600xi32, #tpu.memory_space<vmem>> -> memref<25600xi32, #tpu.memory_space<vmem>>
      %dma_start3A_385 = tpu.memref_slice %arg2[%mul3A_2] : memref<819200xi32, #tpu.memory_space<hbm>> -> memref<25600xi32, #tpu.memory_space<hbm>>
      %dma_start3A_386 = arith.constant 0 : i32
      %dma_start3A_387 = tpu.memref_slice %arg11[%dma_start3A_386] : memref<25600xi32, #tpu.memory_space<vmem>> -> memref<25600xi32, #tpu.memory_space<vmem>>
      %dma_start3A_388 = tpu.memref_slice %arg2[%mul3A_2] : memref<819200xi32, #tpu.memory_space<hbm>> -> memref<25600xi32, #tpu.memory_space<hbm>>
      tpu.enqueue_dma source(%dma_start3A_388 : memref<25600xi32, #tpu.memory_space<hbm>>) target(%dma_start3A_387 : memref<25600xi32, #tpu.memory_space<vmem>>) target_semaphore(%run_scoped3A : memref<!tpu.dma_semaphore, #tpu.memory_space<semaphore_mem>>)
      %dma_wait3A_389 = arith.constant 0 : i32
      %dma_wait3A_390 = tpu.memref_slice %arg11[%dma_wait3A_389] : memref<25600xi32, #tpu.memory_space<vmem>> -> memref<25600xi32, #tpu.memory_space<vmem>>
      %dma_wait3A_391 = tpu.memref_slice %arg2[%mul3A_2] : memref<819200xi32, #tpu.memory_space<hbm>> -> memref<25600xi32, #tpu.memory_space<hbm>>
      %dma_wait3A_392 = arith.constant 0 : i32
      %dma_wait3A_393 = tpu.memref_slice %arg11[%dma_wait3A_392] : memref<25600xi32, #tpu.memory_space<vmem>> -> memref<25600xi32, #tpu.memory_space<vmem>>
      %dma_wait3A_394 = tpu.memref_slice %arg2[%mul3A_2] : memref<819200xi32, #tpu.memory_space<hbm>> -> memref<25600xi32, #tpu.memory_space<hbm>>
      tpu.wait_dma2 semaphore(%run_scoped3A : memref<!tpu.dma_semaphore, #tpu.memory_space<semaphore_mem>>) src(%dma_wait3A_394 : memref<25600xi32, #tpu.memory_space<hbm>>) dst(%dma_wait3A_393 : memref<25600xi32, #tpu.memory_space<vmem>>)
      tpu.yield
    }) : () -> ()
    %dma_start3A = arith.constant 0 : i32
    %dma_start3A_5 = arith.constant 0 : i32
    %dma_start3A_6 = arith.constant 0 : i32
    %dma_start3A_7 = arith.constant 0 : i32
    %dma_start3A_8 = tpu.memref_slice %arg12[%dma_start3A, %dma_start3A_6, %dma_start3A_7] : memref<4x400x64xf32, #tpu.memory_space<vmem>> -> memref<1x400x64xf32, #tpu.memory_space<vmem>>
    %dma_start3A_9 = tpu.memref_squeeze %dma_start3A_8 : memref<1x400x64xf32, #tpu.memory_space<vmem>> -> memref<400x64xf32, #tpu.memory_space<vmem>>
    %dma_start3A_10 = arith.constant 0 : i32
    %dma_start3A_11 = tpu.memref_slice %arg11[%dma_start3A_10] : memref<25600xi32, #tpu.memory_space<vmem>> -> memref<400xi32, #tpu.memory_space<vmem>>
    %dma_start3A_12 = arith.constant 0 : i32
    %dma_start3A_13 = arith.constant 0 : i32
    %dma_start3A_14 = tpu.memref_slice %arg5[%dma_start3A_12, %dma_start3A_13] : memref<100000x64xf32, #tpu.memory_space<hbm>> -> memref<100000x64xf32, #tpu.memory_space<hbm>>
    %dma_start3A_15 = tpu.memref_slice %arg13[%dma_start3A_5] : memref<4x!tpu.dma_semaphore, #tpu.memory_space<semaphore_mem>> -> memref<1x!tpu.dma_semaphore, #tpu.memory_space<semaphore_mem>>
    %dma_start3A_16 = tpu.memref_squeeze %dma_start3A_15 : memref<1x!tpu.dma_semaphore, #tpu.memory_space<semaphore_mem>> -> memref<!tpu.dma_semaphore, #tpu.memory_space<semaphore_mem>>
    tpu.enqueue_indirect_dma source(%dma_start3A_14 : memref<100000x64xf32, #tpu.memory_space<hbm>>) target(%dma_start3A_9 : memref<400x64xf32, #tpu.memory_space<vmem>>) offsets(%dma_start3A_11 : memref<400xi32, #tpu.memory_space<vmem>>) semaphore(%dma_start3A_16 : memref<!tpu.dma_semaphore, #tpu.memory_space<semaphore_mem>>)
    %dma_start3A_17 = arith.constant 1 : i32
    %dma_start3A_18 = arith.constant 1 : i32
    %dma_start3A_19 = arith.constant 0 : i32
    %dma_start3A_20 = arith.constant 0 : i32
    %dma_start3A_21 = tpu.memref_slice %arg12[%dma_start3A_17, %dma_start3A_19, %dma_start3A_20] : memref<4x400x64xf32, #tpu.memory_space<vmem>> -> memref<1x400x64xf32, #tpu.memory_space<vmem>>
    %dma_start3A_22 = tpu.memref_squeeze %dma_start3A_21 : memref<1x400x64xf32, #tpu.memory_space<vmem>> -> memref<400x64xf32, #tpu.memory_space<vmem>>
    %dma_start3A_23 = arith.constant 400 : i32
    %dma_start3A_24 = tpu.memref_slice %arg11[%dma_start3A_23] : memref<25600xi32, #tpu.memory_space<vmem>> -> memref<400xi32, #tpu.memory_space<vmem>>
    %dma_start3A_25 = arith.constant 0 : i32
    %dma_start3A_26 = arith.constant 0 : i32
    %dma_start3A_27 = tpu.memref_slice %arg5[%dma_start3A_25, %dma_start3A_26] : memref<100000x64xf32, #tpu.memory_space<hbm>> -> memref<100000x64xf32, #tpu.memory_space<hbm>>
    %dma_start3A_28 = tpu.memref_slice %arg13[%dma_start3A_18] : memref<4x!tpu.dma_semaphore, #tpu.memory_space<semaphore_mem>> -> memref<1x!tpu.dma_semaphore, #tpu.memory_space<semaphore_mem>>
    %dma_start3A_29 = tpu.memref_squeeze %dma_start3A_28 : memref<1x!tpu.dma_semaphore, #tpu.memory_space<semaphore_mem>> -> memref<!tpu.dma_semaphore, #tpu.memory_space<semaphore_mem>>
    tpu.enqueue_indirect_dma source(%dma_start3A_27 : memref<100000x64xf32, #tpu.memory_space<hbm>>) target(%dma_start3A_22 : memref<400x64xf32, #tpu.memory_space<vmem>>) offsets(%dma_start3A_24 : memref<400xi32, #tpu.memory_space<vmem>>) semaphore(%dma_start3A_29 : memref<!tpu.dma_semaphore, #tpu.memory_space<semaphore_mem>>)
    %dma_start3A_30 = arith.constant 2 : i32
    %dma_start3A_31 = arith.constant 2 : i32
    %dma_start3A_32 = arith.constant 0 : i32
    %dma_start3A_33 = arith.constant 0 : i32
    %dma_start3A_34 = tpu.memref_slice %arg12[%dma_start3A_30, %dma_start3A_32, %dma_start3A_33] : memref<4x400x64xf32, #tpu.memory_space<vmem>> -> memref<1x400x64xf32, #tpu.memory_space<vmem>>
    %dma_start3A_35 = tpu.memref_squeeze %dma_start3A_34 : memref<1x400x64xf32, #tpu.memory_space<vmem>> -> memref<400x64xf32, #tpu.memory_space<vmem>>
    %dma_start3A_36 = arith.constant 800 : i32
    %dma_start3A_37 = tpu.memref_slice %arg11[%dma_start3A_36] : memref<25600xi32, #tpu.memory_space<vmem>> -> memref<400xi32, #tpu.memory_space<vmem>>
    %dma_start3A_38 = arith.constant 0 : i32
    %dma_start3A_39 = arith.constant 0 : i32
    %dma_start3A_40 = tpu.memref_slice %arg5[%dma_start3A_38, %dma_start3A_39] : memref<100000x64xf32, #tpu.memory_space<hbm>> -> memref<100000x64xf32, #tpu.memory_space<hbm>>
    %dma_start3A_41 = tpu.memref_slice %arg13[%dma_start3A_31] : memref<4x!tpu.dma_semaphore, #tpu.memory_space<semaphore_mem>> -> memref<1x!tpu.dma_semaphore, #tpu.memory_space<semaphore_mem>>
    %dma_start3A_42 = tpu.memref_squeeze %dma_start3A_41 : memref<1x!tpu.dma_semaphore, #tpu.memory_space<semaphore_mem>> -> memref<!tpu.dma_semaphore, #tpu.memory_space<semaphore_mem>>
    tpu.enqueue_indirect_dma source(%dma_start3A_40 : memref<100000x64xf32, #tpu.memory_space<hbm>>) target(%dma_start3A_35 : memref<400x64xf32, #tpu.memory_space<vmem>>) offsets(%dma_start3A_37 : memref<400xi32, #tpu.memory_space<vmem>>) semaphore(%dma_start3A_42 : memref<!tpu.dma_semaphore, #tpu.memory_space<semaphore_mem>>)
    %scan3A = arith.constant 0 : i32
    %scan3A_43 = arith.constant 0 : i32
    %scan3A_44 = arith.constant 64 : i32
    %scan3A_45 = arith.addi %scan3A_43, %scan3A_44 : i32
    %scan3A_46 = arith.constant 1 : i32
    %scan3A_47 = scf.for %scan3A_383 = %scan3A_43 to %scan3A_45 step %scan3A_46 iter_args(%scan3A_384 = %scan3A) -> (i32)  : i32 {
      %rem3A_385 = arith.constant 4 : i32
      %rem3A_386 = arith.remsi %scan3A_383, %rem3A_385 : i32
      %mul3A_387 = arith.constant 400 : i32
      %mul3A_388 = arith.muli %scan3A_383, %mul3A_387 : i32
      %dma_wait3A_389 = arith.constant 0 : i32
      %dma_wait3A_390 = arith.constant 0 : i32
      %dma_wait3A_391 = tpu.memref_slice %arg12[%rem3A_386, %dma_wait3A_389, %dma_wait3A_390] : memref<4x400x64xf32, #tpu.memory_space<vmem>> -> memref<1x400x64xf32, #tpu.memory_space<vmem>>
      %dma_wait3A_392 = tpu.memref_squeeze %dma_wait3A_391 : memref<1x400x64xf32, #tpu.memory_space<vmem>> -> memref<400x64xf32, #tpu.memory_space<vmem>>
      %dma_wait3A_393 = tpu.memref_slice %arg11[%mul3A_388] : memref<25600xi32, #tpu.memory_space<vmem>> -> memref<400xi32, #tpu.memory_space<vmem>>
      %dma_wait3A_394 = arith.constant 0 : i32
      %dma_wait3A_395 = arith.constant 0 : i32
      %dma_wait3A_396 = tpu.memref_slice %arg5[%dma_wait3A_394, %dma_wait3A_395] : memref<100000x64xf32, #tpu.memory_space<hbm>> -> memref<100000x64xf32, #tpu.memory_space<hbm>>
      %dma_wait3A_397 = tpu.memref_slice %arg13[%rem3A_386] : memref<4x!tpu.dma_semaphore, #tpu.memory_space<semaphore_mem>> -> memref<1x!tpu.dma_semaphore, #tpu.memory_space<semaphore_mem>>
      %dma_wait3A_398 = tpu.memref_squeeze %dma_wait3A_397 : memref<1x!tpu.dma_semaphore, #tpu.memory_space<semaphore_mem>> -> memref<!tpu.dma_semaphore, #tpu.memory_space<semaphore_mem>>
      tpu.wait_indirect_dma semaphore(%dma_wait3A_398 : memref<!tpu.dma_semaphore, #tpu.memory_space<semaphore_mem>>) src(%dma_wait3A_396 : memref<100000x64xf32, #tpu.memory_space<hbm>>) dst(%dma_wait3A_392 : memref<400x64xf32, #tpu.memory_space<vmem>>)
      %scan3A_399 = arith.constant 0 : i32
      %scan3A_400 = arith.constant 0 : i32
      %scan3A_401 = arith.constant 400 : i32
      %scan3A_402 = arith.addi %scan3A_400, %scan3A_401 : i32
      %scan3A_403 = arith.constant 2 : i32
      %scan3A_404 = scf.for %scan3A_421 = %scan3A_400 to %scan3A_402 step %scan3A_403 iter_args(%scan3A_422 = %scan3A_399) -> (i32)  : i32 {
        %get3A = arith.index_cast %rem3A_386 : i32 to index
        %get3A_423 = arith.index_cast %scan3A_421 : i32 to index
        %get3A_424 = arith.constant 0 : index
        %get3A_425 = tpu.vector_load %arg12[%get3A, %get3A_423, %get3A_424] {strides = array<i32>} : memref<4x400x64xf32, #tpu.memory_space<vmem>>, vector<1x1x16xf32>,
        %get3A_426 = vector.shape_cast %get3A_425 : vector<1x1x16xf32> to vector<16xf32>
        %max3A = arith.constant 0.000000e+00 : f32
        %max3A_427 = vector.broadcast %max3A : f32 to vector<16xf32>
        %max3A_428 = arith.maximumf %get3A_426, %max3A_427 : vector<16xf32>
        %swap3A = arith.index_cast %rem3A_386 : i32 to index
        %swap3A_429 = arith.index_cast %scan3A_421 : i32 to index
        %swap3A_430 = arith.constant 0 : index
        %swap3A_431 = tpu.vector_load %arg12[%swap3A, %swap3A_429, %swap3A_430] {strides = array<i32>} : memref<4x400x64xf32, #tpu.memory_space<vmem>>, vector<1x1x16xf32>,
        %swap3A_432 = vector.shape_cast %swap3A_431 : vector<1x1x16xf32> to vector<16xf32>
        %swap3A_433 = vector.shape_cast %max3A_428 : vector<16xf32> to vector<1x1x16xf32>
        tpu.vector_store %arg12[%swap3A, %swap3A_429, %swap3A_430], %swap3A_433 {strides = array<i32>} : memref<4x400x64xf32, #tpu.memory_space<vmem>>, vector<1x1x16xf32>,
        %get3A_434 = arith.index_cast %rem3A_386 : i32 to index
        %get3A_435 = arith.index_cast %scan3A_421 : i32 to index
        %get3A_436 = arith.constant 16 : index
        %get3A_437 = tpu.vector_load %arg12[%get3A_434, %get3A_435, %get3A_436] {strides = array<i32>} : memref<4x400x64xf32, #tpu.memory_space<vmem>>, vector<1x1x16xf32>,
        %get3A_438 = vector.shape_cast %get3A_437 : vector<1x1x16xf32> to vector<16xf32>
        %max3A_439 = arith.constant 0.000000e+00 : f32
        %max3A_440 = vector.broadcast %max3A_439 : f32 to vector<16xf32>
        %max3A_441 = arith.maximumf %get3A_438, %max3A_440 : vector<16xf32>
        %swap3A_442 = arith.index_cast %rem3A_386 : i32 to index
        %swap3A_443 = arith.index_cast %scan3A_421 : i32 to index
        %swap3A_444 = arith.constant 16 : index
        %swap3A_445 = tpu.vector_load %arg12[%swap3A_442, %swap3A_443, %swap3A_444] {strides = array<i32>} : memref<4x400x64xf32, #tpu.memory_space<vmem>>, vector<1x1x16xf32>,
        %swap3A_446 = vector.shape_cast %swap3A_445 : vector<1x1x16xf32> to vector<16xf32>
        %swap3A_447 = vector.shape_cast %max3A_441 : vector<16xf32> to vector<1x1x16xf32>
        tpu.vector_store %arg12[%swap3A_442, %swap3A_443, %swap3A_444], %swap3A_447 {strides = array<i32>} : memref<4x400x64xf32, #tpu.memory_space<vmem>>, vector<1x1x16xf32>,
        %get3A_448 = arith.index_cast %rem3A_386 : i32 to index
        %get3A_449 = arith.index_cast %scan3A_421 : i32 to index
        %get3A_450 = arith.constant 32 : index
        %get3A_451 = tpu.vector_load %arg12[%get3A_448, %get3A_449, %get3A_450] {strides = array<i32>} : memref<4x400x64xf32, #tpu.memory_space<vmem>>, vector<1x1x16xf32>,
        %get3A_452 = vector.shape_cast %get3A_451 : vector<1x1x16xf32> to vector<16xf32>
        %max3A_453 = arith.constant 0.000000e+00 : f32
        %max3A_454 = vector.broadcast %max3A_453 : f32 to vector<16xf32>
        %max3A_455 = arith.maximumf %get3A_452, %max3A_454 : vector<16xf32>
        %swap3A_456 = arith.index_cast %rem3A_386 : i32 to index
        %swap3A_457 = arith.index_cast %scan3A_421 : i32 to index
        %swap3A_458 = arith.constant 32 : index
        %swap3A_459 = tpu.vector_load %arg12[%swap3A_456, %swap3A_457, %swap3A_458] {strides = array<i32>} : memref<4x400x64xf32, #tpu.memory_space<vmem>>, vector<1x1x16xf32>,
        %swap3A_460 = vector.shape_cast %swap3A_459 : vector<1x1x16xf32> to vector<16xf32>
        %swap3A_461 = vector.shape_cast %max3A_455 : vector<16xf32> to vector<1x1x16xf32>
        tpu.vector_store %arg12[%swap3A_456, %swap3A_457, %swap3A_458], %swap3A_461 {strides = array<i32>} : memref<4x400x64xf32, #tpu.memory_space<vmem>>, vector<1x1x16xf32>,
        %get3A_462 = arith.index_cast %rem3A_386 : i32 to index
        %get3A_463 = arith.index_cast %scan3A_421 : i32 to index
        %get3A_464 = arith.constant 48 : index
        %get3A_465 = tpu.vector_load %arg12[%get3A_462, %get3A_463, %get3A_464] {strides = array<i32>} : memref<4x400x64xf32, #tpu.memory_space<vmem>>, vector<1x1x16xf32>,
        %get3A_466 = vector.shape_cast %get3A_465 : vector<1x1x16xf32> to vector<16xf32>
        %max3A_467 = arith.constant 0.000000e+00 : f32
        %max3A_468 = vector.broadcast %max3A_467 : f32 to vector<16xf32>
        %max3A_469 = arith.maximumf %get3A_466, %max3A_468 : vector<16xf32>
        %swap3A_470 = arith.index_cast %rem3A_386 : i32 to index
        %swap3A_471 = arith.index_cast %scan3A_421 : i32 to index
        %swap3A_472 = arith.constant 48 : index
        %swap3A_473 = tpu.vector_load %arg12[%swap3A_470, %swap3A_471, %swap3A_472] {strides = array<i32>} : memref<4x400x64xf32, #tpu.memory_space<vmem>>, vector<1x1x16xf32>,
        %swap3A_474 = vector.shape_cast %swap3A_473 : vector<1x1x16xf32> to vector<16xf32>
        %swap3A_475 = vector.shape_cast %max3A_469 : vector<16xf32> to vector<1x1x16xf32>
        tpu.vector_store %arg12[%swap3A_470, %swap3A_471, %swap3A_472], %swap3A_475 {strides = array<i32>} : memref<4x400x64xf32, #tpu.memory_space<vmem>>, vector<1x1x16xf32>,
        %scan3A_476 = arith.constant 0 : i32
        %scan3A_477 = arith.constant 1 : i32
        %scan3A_478 = arith.addi %scan3A_421, %scan3A_477 : i32
        %get3A_479 = arith.index_cast %rem3A_386 : i32 to index
        %get3A_480 = arith.index_cast %scan3A_478 : i32 to index
        %get3A_481 = arith.constant 0 : index
        %get3A_482 = tpu.vector_load %arg12[%get3A_479, %get3A_480, %get3A_481] {strides = array<i32>} : memref<4x400x64xf32, #tpu.memory_space<vmem>>, vector<1x1x16xf32>,
        %get3A_483 = vector.shape_cast %get3A_482 : vector<1x1x16xf32> to vector<16xf32>
        %max3A_484 = arith.constant 0.000000e+00 : f32
        %max3A_485 = vector.broadcast %max3A_484 : f32 to vector<16xf32>
        %max3A_486 = arith.maximumf %get3A_483, %max3A_485 : vector<16xf32>
        %swap3A_487 = arith.index_cast %rem3A_386 : i32 to index
        %swap3A_488 = arith.index_cast %scan3A_478 : i32 to index
        %swap3A_489 = arith.constant 0 : index
        %swap3A_490 = tpu.vector_load %arg12[%swap3A_487, %swap3A_488, %swap3A_489] {strides = array<i32>} : memref<4x400x64xf32, #tpu.memory_space<vmem>>, vector<1x1x16xf32>,
        %swap3A_491 = vector.shape_cast %swap3A_490 : vector<1x1x16xf32> to vector<16xf32>
        %swap3A_492 = vector.shape_cast %max3A_486 : vector<16xf32> to vector<1x1x16xf32>
        tpu.vector_store %arg12[%swap3A_487, %swap3A_488, %swap3A_489], %swap3A_492 {strides = array<i32>} : memref<4x400x64xf32, #tpu.memory_space<vmem>>, vector<1x1x16xf32>,
        %get3A_493 = arith.index_cast %rem3A_386 : i32 to index
        %get3A_494 = arith.index_cast %scan3A_478 : i32 to index
        %get3A_495 = arith.constant 16 : index
        %get3A_496 = tpu.vector_load %arg12[%get3A_493, %get3A_494, %get3A_495] {strides = array<i32>} : memref<4x400x64xf32, #tpu.memory_space<vmem>>, vector<1x1x16xf32>,
        %get3A_497 = vector.shape_cast %get3A_496 : vector<1x1x16xf32> to vector<16xf32>
        %max3A_498 = arith.constant 0.000000e+00 : f32
        %max3A_499 = vector.broadcast %max3A_498 : f32 to vector<16xf32>
        %max3A_500 = arith.maximumf %get3A_497, %max3A_499 : vector<16xf32>
        %swap3A_501 = arith.index_cast %rem3A_386 : i32 to index
        %swap3A_502 = arith.index_cast %scan3A_478 : i32 to index
        %swap3A_503 = arith.constant 16 : index
        %swap3A_504 = tpu.vector_load %arg12[%swap3A_501, %swap3A_502, %swap3A_503] {strides = array<i32>} : memref<4x400x64xf32, #tpu.memory_space<vmem>>, vector<1x1x16xf32>,
        %swap3A_505 = vector.shape_cast %swap3A_504 : vector<1x1x16xf32> to vector<16xf32>
        %swap3A_506 = vector.shape_cast %max3A_500 : vector<16xf32> to vector<1x1x16xf32>
        tpu.vector_store %arg12[%swap3A_501, %swap3A_502, %swap3A_503], %swap3A_506 {strides = array<i32>} : memref<4x400x64xf32, #tpu.memory_space<vmem>>, vector<1x1x16xf32>,
        %get3A_507 = arith.index_cast %rem3A_386 : i32 to index
        %get3A_508 = arith.index_cast %scan3A_478 : i32 to index
        %get3A_509 = arith.constant 32 : index
        %get3A_510 = tpu.vector_load %arg12[%get3A_507, %get3A_508, %get3A_509] {strides = array<i32>} : memref<4x400x64xf32, #tpu.memory_space<vmem>>, vector<1x1x16xf32>,
        %get3A_511 = vector.shape_cast %get3A_510 : vector<1x1x16xf32> to vector<16xf32>
        %max3A_512 = arith.constant 0.000000e+00 : f32
        %max3A_513 = vector.broadcast %max3A_512 : f32 to vector<16xf32>
        %max3A_514 = arith.maximumf %get3A_511, %max3A_513 : vector<16xf32>
        %swap3A_515 = arith.index_cast %rem3A_386 : i32 to index
        %swap3A_516 = arith.index_cast %scan3A_478 : i32 to index
        %swap3A_517 = arith.constant 32 : index
        %swap3A_518 = tpu.vector_load %arg12[%swap3A_515, %swap3A_516, %swap3A_517] {strides = array<i32>} : memref<4x400x64xf32, #tpu.memory_space<vmem>>, vector<1x1x16xf32>,
        %swap3A_519 = vector.shape_cast %swap3A_518 : vector<1x1x16xf32> to vector<16xf32>
        %swap3A_520 = vector.shape_cast %max3A_514 : vector<16xf32> to vector<1x1x16xf32>
        tpu.vector_store %arg12[%swap3A_515, %swap3A_516, %swap3A_517], %swap3A_520 {strides = array<i32>} : memref<4x400x64xf32, #tpu.memory_space<vmem>>, vector<1x1x16xf32>,
        %get3A_521 = arith.index_cast %rem3A_386 : i32 to index
        %get3A_522 = arith.index_cast %scan3A_478 : i32 to index
        %get3A_523 = arith.constant 48 : index
        %get3A_524 = tpu.vector_load %arg12[%get3A_521, %get3A_522, %get3A_523] {strides = array<i32>} : memref<4x400x64xf32, #tpu.memory_space<vmem>>, vector<1x1x16xf32>,
        %get3A_525 = vector.shape_cast %get3A_524 : vector<1x1x16xf32> to vector<16xf32>
        %max3A_526 = arith.constant 0.000000e+00 : f32
        %max3A_527 = vector.broadcast %max3A_526 : f32 to vector<16xf32>
        %max3A_528 = arith.maximumf %get3A_525, %max3A_527 : vector<16xf32>
        %swap3A_529 = arith.index_cast %rem3A_386 : i32 to index
        %swap3A_530 = arith.index_cast %scan3A_478 : i32 to index
        %swap3A_531 = arith.constant 48 : index
        %swap3A_532 = tpu.vector_load %arg12[%swap3A_529, %swap3A_530, %swap3A_531] {strides = array<i32>} : memref<4x400x64xf32, #tpu.memory_space<vmem>>, vector<1x1x16xf32>,
        %swap3A_533 = vector.shape_cast %swap3A_532 : vector<1x1x16xf32> to vector<16xf32>
        %swap3A_534 = vector.shape_cast %max3A_528 : vector<16xf32> to vector<1x1x16xf32>
        tpu.vector_store %arg12[%swap3A_529, %swap3A_530, %swap3A_531], %swap3A_534 {strides = array<i32>} : memref<4x400x64xf32, #tpu.memory_space<vmem>>, vector<1x1x16xf32>,
        %scan3A_535 = arith.constant 0 : i32
        scf.yield %scan3A_535 : i32
      }
      %scan3A_405 = arith.constant 400 : i32
      %convert_element_type3A = arith.extui %lt3A_3 : i1 to i32
      %cond3A = arith.constant 0 : i32
      %cond3A_406 = arith.cmpi ne, %convert_element_type3A, %cond3A : i32
      scf.if %cond3A_406 {
        %mul3A_421 = arith.constant 400 : i32
        %mul3A_422 = arith.muli %scan3A_383, %mul3A_421 : i32
        %add3A_423 = arith.addi %sub3A, %mul3A_422 : i32
        %dma_start3A_424 = arith.constant 0 : i32
        %dma_start3A_425 = arith.constant 0 : i32
        %dma_start3A_426 = tpu.memref_slice %arg12[%rem3A_386, %dma_start3A_424, %dma_start3A_425] : memref<4x400x64xf32, #tpu.memory_space<vmem>> -> memref<1x400x64xf32, #tpu.memory_space<vmem>>
        %dma_start3A_427 = tpu.memref_squeeze %dma_start3A_426 : memref<1x400x64xf32, #tpu.memory_space<vmem>> -> memref<400x64xf32, #tpu.memory_space<vmem>>
        %dma_start3A_428 = arith.constant 0 : i32
        %dma_start3A_429 = tpu.memref_slice %arg8[%add3A_423, %dma_start3A_428] : memref<409600x128xf32, #tpu.memory_space<hbm>> -> memref<400x64xf32, #tpu.memory_space<hbm>>
        %dma_start3A_430 = tpu.memref_slice %arg14[%rem3A_386] : memref<4x!tpu.dma_semaphore, #tpu.memory_space<semaphore_mem>> -> memref<1x!tpu.dma_semaphore, #tpu.memory_space<semaphore_mem>>
        %dma_start3A_431 = tpu.memref_squeeze %dma_start3A_430 : memref<1x!tpu.dma_semaphore, #tpu.memory_space<semaphore_mem>> -> memref<!tpu.dma_semaphore, #tpu.memory_space<semaphore_mem>>
        %dma_start3A_432 = arith.constant 0 : i32
        %dma_start3A_433 = tpu.memref_slice %arg8[%add3A_423, %dma_start3A_432] : memref<409600x128xf32, #tpu.memory_space<hbm>> -> memref<400x64xf32, #tpu.memory_space<hbm>>
        %dma_start3A_434 = arith.constant 0 : i32
        %dma_start3A_435 = arith.constant 0 : i32
        %dma_start3A_436 = tpu.memref_slice %arg12[%rem3A_386, %dma_start3A_434, %dma_start3A_435] : memref<4x400x64xf32, #tpu.memory_space<vmem>> -> memref<1x400x64xf32, #tpu.memory_space<vmem>>
        %dma_start3A_437 = tpu.memref_squeeze %dma_start3A_436 : memref<1x400x64xf32, #tpu.memory_space<vmem>> -> memref<400x64xf32, #tpu.memory_space<vmem>>
        tpu.enqueue_dma source(%dma_start3A_437 : memref<400x64xf32, #tpu.memory_space<vmem>>) target(%dma_start3A_433 : memref<400x64xf32, #tpu.memory_space<hbm>>) target_semaphore(%dma_start3A_431 : memref<!tpu.dma_semaphore, #tpu.memory_space<semaphore_mem>>)
      } else {
      }
      %not3A = arith.constant true
      %not3A_407 = arith.xori %lt3A_3, %not3A : i1
      %convert_element_type3A_408 = arith.extui %not3A_407 : i1 to i32
      %cond3A_409 = arith.constant 0 : i32
      %cond3A_410 = arith.cmpi ne, %convert_element_type3A_408, %cond3A_409 : i32
      scf.if %cond3A_410 {
        %mul3A_421 = arith.constant 400 : i32
        %mul3A_422 = arith.muli %scan3A_383, %mul3A_421 : i32
        %add3A_423 = arith.addi %sub3A, %mul3A_422 : i32
        %dma_start3A_424 = arith.constant 0 : i32
        %dma_start3A_425 = arith.constant 0 : i32
        %dma_start3A_426 = tpu.memref_slice %arg12[%rem3A_386, %dma_start3A_424, %dma_start3A_425] : memref<4x400x64xf32, #tpu.memory_space<vmem>> -> memref<1x400x64xf32, #tpu.memory_space<vmem>>
        %dma_start3A_427 = tpu.memref_squeeze %dma_start3A_426 : memref<1x400x64xf32, #tpu.memory_space<vmem>> -> memref<400x64xf32, #tpu.memory_space<vmem>>
        %dma_start3A_428 = arith.constant 64 : i32
        %dma_start3A_429 = tpu.memref_slice %arg8[%add3A_423, %dma_start3A_428] : memref<409600x128xf32, #tpu.memory_space<hbm>> -> memref<400x64xf32, #tpu.memory_space<hbm>>
        %dma_start3A_430 = tpu.memref_slice %arg14[%rem3A_386] : memref<4x!tpu.dma_semaphore, #tpu.memory_space<semaphore_mem>> -> memref<1x!tpu.dma_semaphore, #tpu.memory_space<semaphore_mem>>
        %dma_start3A_431 = tpu.memref_squeeze %dma_start3A_430 : memref<1x!tpu.dma_semaphore, #tpu.memory_space<semaphore_mem>> -> memref<!tpu.dma_semaphore, #tpu.memory_space<semaphore_mem>>
        %dma_start3A_432 = arith.constant 64 : i32
        %dma_start3A_433 = tpu.memref_slice %arg8[%add3A_423, %dma_start3A_432] : memref<409600x128xf32, #tpu.memory_space<hbm>> -> memref<400x64xf32, #tpu.memory_space<hbm>>
        %dma_start3A_434 = arith.constant 0 : i32
        %dma_start3A_435 = arith.constant 0 : i32
        %dma_start3A_436 = tpu.memref_slice %arg12[%rem3A_386, %dma_start3A_434, %dma_start3A_435] : memref<4x400x64xf32, #tpu.memory_space<vmem>> -> memref<1x400x64xf32, #tpu.memory_space<vmem>>
        %dma_start3A_437 = tpu.memref_squeeze %dma_start3A_436 : memref<1x400x64xf32, #tpu.memory_space<vmem>> -> memref<400x64xf32, #tpu.memory_space<vmem>>
        tpu.enqueue_dma source(%dma_start3A_437 : memref<400x64xf32, #tpu.memory_space<vmem>>) target(%dma_start3A_433 : memref<400x64xf32, #tpu.memory_space<hbm>>) target_semaphore(%dma_start3A_431 : memref<!tpu.dma_semaphore, #tpu.memory_space<semaphore_mem>>)
      } else {
      }
      %add3A_411 = arith.constant 4 : i32
      %add3A_412 = arith.addi %scan3A_383, %add3A_411 : i32
      %sub3A_413 = arith.constant 1 : i32
      %sub3A_414 = arith.subi %add3A_412, %sub3A_413 : i32
      %lt3A_415 = arith.constant 64 : i32
      %lt3A_416 = arith.cmpi slt, %sub3A_414, %lt3A_415 : i32
      %convert_element_type3A_417 = arith.extui %lt3A_416 : i1 to i32
      %cond3A_418 = arith.constant 0 : i32
      %cond3A_419 = arith.cmpi ne, %convert_element_type3A_417, %cond3A_418 : i32
      scf.if %cond3A_419 {
        %add3A_421 = arith.constant 4 : i32
        %add3A_422 = arith.addi %scan3A_383, %add3A_421 : i32
        %sub3A_423 = arith.constant 1 : i32
        %sub3A_424 = arith.subi %add3A_422, %sub3A_423 : i32
        %rem3A_425 = arith.constant 4 : i32
        %rem3A_426 = arith.remsi %sub3A_424, %rem3A_425 : i32
        %ge3A = arith.constant 1 : i32
        %ge3A_427 = arith.cmpi sge, %scan3A_383, %ge3A : i32
        %convert_element_type3A_428 = arith.extui %ge3A_427 : i1 to i32
        %cond3A_429 = arith.constant 0 : i32
        %cond3A_430 = arith.cmpi ne, %convert_element_type3A_428, %cond3A_429 : i32
        scf.if %cond3A_430 {
          %sub3A_447 = arith.constant 1 : i32
          %sub3A_448 = arith.subi %scan3A_383, %sub3A_447 : i32
          %mul3A_449 = arith.constant 400 : i32
          %mul3A_450 = arith.muli %sub3A_448, %mul3A_449 : i32
          %add3A_451 = arith.addi %sub3A, %mul3A_450 : i32
          %dma_wait3A_452 = arith.constant 0 : i32
          %dma_wait3A_453 = arith.constant 0 : i32
          %dma_wait3A_454 = tpu.memref_slice %arg12[%rem3A_426, %dma_wait3A_452, %dma_wait3A_453] : memref<4x400x64xf32, #tpu.memory_space<vmem>> -> memref<1x400x64xf32, #tpu.memory_space<vmem>>
          %dma_wait3A_455 = tpu.memref_squeeze %dma_wait3A_454 : memref<1x400x64xf32, #tpu.memory_space<vmem>> -> memref<400x64xf32, #tpu.memory_space<vmem>>
          %dma_wait3A_456 = arith.constant 0 : i32
          %dma_wait3A_457 = tpu.memref_slice %arg8[%add3A_451, %dma_wait3A_456] : memref<409600x128xf32, #tpu.memory_space<hbm>> -> memref<400x64xf32, #tpu.memory_space<hbm>>
          %dma_wait3A_458 = tpu.memref_slice %arg14[%rem3A_426] : memref<4x!tpu.dma_semaphore, #tpu.memory_space<semaphore_mem>> -> memref<1x!tpu.dma_semaphore, #tpu.memory_space<semaphore_mem>>
          %dma_wait3A_459 = tpu.memref_squeeze %dma_wait3A_458 : memref<1x!tpu.dma_semaphore, #tpu.memory_space<semaphore_mem>> -> memref<!tpu.dma_semaphore, #tpu.memory_space<semaphore_mem>>
          %dma_wait3A_460 = arith.constant 0 : i32
          %dma_wait3A_461 = tpu.memref_slice %arg8[%add3A_451, %dma_wait3A_460] : memref<409600x128xf32, #tpu.memory_space<hbm>> -> memref<400x64xf32, #tpu.memory_space<hbm>>
          %dma_wait3A_462 = arith.constant 0 : i32
          %dma_wait3A_463 = arith.constant 0 : i32
          %dma_wait3A_464 = tpu.memref_slice %arg12[%rem3A_426, %dma_wait3A_462, %dma_wait3A_463] : memref<4x400x64xf32, #tpu.memory_space<vmem>> -> memref<1x400x64xf32, #tpu.memory_space<vmem>>
          %dma_wait3A_465 = tpu.memref_squeeze %dma_wait3A_464 : memref<1x400x64xf32, #tpu.memory_space<vmem>> -> memref<400x64xf32, #tpu.memory_space<vmem>>
          tpu.wait_dma2 semaphore(%dma_wait3A_459 : memref<!tpu.dma_semaphore, #tpu.memory_space<semaphore_mem>>) src(%dma_wait3A_465 : memref<400x64xf32, #tpu.memory_space<vmem>>) dst(%dma_wait3A_461 : memref<400x64xf32, #tpu.memory_space<hbm>>)
        } else {
        }
        %add3A_431 = arith.constant 4 : i32
        %add3A_432 = arith.addi %scan3A_383, %add3A_431 : i32
        %sub3A_433 = arith.constant 1 : i32
        %sub3A_434 = arith.subi %add3A_432, %sub3A_433 : i32
        %mul3A_435 = arith.constant 400 : i32
        %mul3A_436 = arith.muli %sub3A_434, %mul3A_435 : i32
        %dma_start3A_437 = arith.constant 0 : i32
        %dma_start3A_438 = arith.constant 0 : i32
        %dma_start3A_439 = tpu.memref_slice %arg12[%rem3A_426, %dma_start3A_437, %dma_start3A_438] : memref<4x400x64xf32, #tpu.memory_space<vmem>> -> memref<1x400x64xf32, #tpu.memory_space<vmem>>
        %dma_start3A_440 = tpu.memref_squeeze %dma_start3A_439 : memref<1x400x64xf32, #tpu.memory_space<vmem>> -> memref<400x64xf32, #tpu.memory_space<vmem>>
        %dma_start3A_441 = tpu.memref_slice %arg11[%mul3A_436] : memref<25600xi32, #tpu.memory_space<vmem>> -> memref<400xi32, #tpu.memory_space<vmem>>
        %dma_start3A_442 = arith.constant 0 : i32
        %dma_start3A_443 = arith.constant 0 : i32
        %dma_start3A_444 = tpu.memref_slice %arg5[%dma_start3A_442, %dma_start3A_443] : memref<100000x64xf32, #tpu.memory_space<hbm>> -> memref<100000x64xf32, #tpu.memory_space<hbm>>
        %dma_start3A_445 = tpu.memref_slice %arg13[%rem3A_426] : memref<4x!tpu.dma_semaphore, #tpu.memory_space<semaphore_mem>> -> memref<1x!tpu.dma_semaphore, #tpu.memory_space<semaphore_mem>>
        %dma_start3A_446 = tpu.memref_squeeze %dma_start3A_445 : memref<1x!tpu.dma_semaphore, #tpu.memory_space<semaphore_mem>> -> memref<!tpu.dma_semaphore, #tpu.memory_space<semaphore_mem>>
        tpu.enqueue_indirect_dma source(%dma_start3A_444 : memref<100000x64xf32, #tpu.memory_space<hbm>>) target(%dma_start3A_440 : memref<400x64xf32, #tpu.memory_space<vmem>>) offsets(%dma_start3A_441 : memref<400xi32, #tpu.memory_space<vmem>>) semaphore(%dma_start3A_446 : memref<!tpu.dma_semaphore, #tpu.memory_space<semaphore_mem>>)
      } else {
      }
      %scan3A_420 = arith.constant 0 : i32
      scf.yield %scan3A_420 : i32
    }
    %scan3A_48 = arith.constant 64 : i32
    %rem3A = arith.constant 60 : i32
    %rem3A_49 = arith.constant 4 : i32
    %rem3A_50 = arith.remsi %rem3A, %rem3A_49 : i32
    %add3A_51 = arith.constant 24000 : i32
    %add3A_52 = arith.addi %sub3A, %add3A_51 : i32
    %dma_wait3A = arith.constant 0 : i32
    %dma_wait3A_53 = arith.constant 0 : i32
    %dma_wait3A_54 = tpu.memref_slice %arg12[%rem3A_50, %dma_wait3A, %dma_wait3A_53] : memref<4x400x64xf32, #tpu.memory_space<vmem>> -> memref<1x400x64xf32, #tpu.memory_space<vmem>>
    %dma_wait3A_55 = tpu.memref_squeeze %dma_wait3A_54 : memref<1x400x64xf32, #tpu.memory_space<vmem>> -> memref<400x64xf32, #tpu.memory_space<vmem>>
    %dma_wait3A_56 = arith.constant 0 : i32
    %dma_wait3A_57 = tpu.memref_slice %arg8[%add3A_52, %dma_wait3A_56] : memref<409600x128xf32, #tpu.memory_space<hbm>> -> memref<400x64xf32, #tpu.memory_space<hbm>>
    %dma_wait3A_58 = tpu.memref_slice %arg14[%rem3A_50] : memref<4x!tpu.dma_semaphore, #tpu.memory_space<semaphore_mem>> -> memref<1x!tpu.dma_semaphore, #tpu.memory_space<semaphore_mem>>
    %dma_wait3A_59 = tpu.memref_squeeze %dma_wait3A_58 : memref<1x!tpu.dma_semaphore, #tpu.memory_space<semaphore_mem>> -> memref<!tpu.dma_semaphore, #tpu.memory_space<semaphore_mem>>
    %dma_wait3A_60 = arith.constant 0 : i32
    %dma_wait3A_61 = tpu.memref_slice %arg8[%add3A_52, %dma_wait3A_60] : memref<409600x128xf32, #tpu.memory_space<hbm>> -> memref<400x64xf32, #tpu.memory_space<hbm>>
    %dma_wait3A_62 = arith.constant 0 : i32
    %dma_wait3A_63 = arith.constant 0 : i32
    %dma_wait3A_64 = tpu.memref_slice %arg12[%rem3A_50, %dma_wait3A_62, %dma_wait3A_63] : memref<4x400x64xf32, #tpu.memory_space<vmem>> -> memref<1x400x64xf32, #tpu.memory_space<vmem>>
    %dma_wait3A_65 = tpu.memref_squeeze %dma_wait3A_64 : memref<1x400x64xf32, #tpu.memory_space<vmem>> -> memref<400x64xf32, #tpu.memory_space<vmem>>
    tpu.wait_dma2 semaphore(%dma_wait3A_59 : memref<!tpu.dma_semaphore, #tpu.memory_space<semaphore_mem>>) src(%dma_wait3A_65 : memref<400x64xf32, #tpu.memory_space<vmem>>) dst(%dma_wait3A_61 : memref<400x64xf32, #tpu.memory_space<hbm>>)
    %rem3A_66 = arith.constant 61 : i32
    %rem3A_67 = arith.constant 4 : i32
    %rem3A_68 = arith.remsi %rem3A_66, %rem3A_67 : i32
    %add3A_69 = arith.constant 24400 : i32
    %add3A_70 = arith.addi %sub3A, %add3A_69 : i32
    %dma_wait3A_71 = arith.constant 0 : i32
    %dma_wait3A_72 = arith.constant 0 : i32
    %dma_wait3A_73 = tpu.memref_slice %arg12[%rem3A_68, %dma_wait3A_71, %dma_wait3A_72] : memref<4x400x64xf32, #tpu.memory_space<vmem>> -> memref<1x400x64xf32, #tpu.memory_space<vmem>>
    %dma_wait3A_74 = tpu.memref_squeeze %dma_wait3A_73 : memref<1x400x64xf32, #tpu.memory_space<vmem>> -> memref<400x64xf32, #tpu.memory_space<vmem>>
    %dma_wait3A_75 = arith.constant 0 : i32
    %dma_wait3A_76 = tpu.memref_slice %arg8[%add3A_70, %dma_wait3A_75] : memref<409600x128xf32, #tpu.memory_space<hbm>> -> memref<400x64xf32, #tpu.memory_space<hbm>>
    %dma_wait3A_77 = tpu.memref_slice %arg14[%rem3A_68] : memref<4x!tpu.dma_semaphore, #tpu.memory_space<semaphore_mem>> -> memref<1x!tpu.dma_semaphore, #tpu.memory_space<semaphore_mem>>
    %dma_wait3A_78 = tpu.memref_squeeze %dma_wait3A_77 : memref<1x!tpu.dma_semaphore, #tpu.memory_space<semaphore_mem>> -> memref<!tpu.dma_semaphore, #tpu.memory_space<semaphore_mem>>
    %dma_wait3A_79 = arith.constant 0 : i32
    %dma_wait3A_80 = tpu.memref_slice %arg8[%add3A_70, %dma_wait3A_79] : memref<409600x128xf32, #tpu.memory_space<hbm>> -> memref<400x64xf32, #tpu.memory_space<hbm>>
    %dma_wait3A_81 = arith.constant 0 : i32
    %dma_wait3A_82 = arith.constant 0 : i32
    %dma_wait3A_83 = tpu.memref_slice %arg12[%rem3A_68, %dma_wait3A_81, %dma_wait3A_82] : memref<4x400x64xf32, #tpu.memory_space<vmem>> -> memref<1x400x64xf32, #tpu.memory_space<vmem>>
    %dma_wait3A_84 = tpu.memref_squeeze %dma_wait3A_83 : memref<1x400x64xf32, #tpu.memory_space<vmem>> -> memref<400x64xf32, #tpu.memory_space<vmem>>
    tpu.wait_dma2 semaphore(%dma_wait3A_78 : memref<!tpu.dma_semaphore, #tpu.memory_space<semaphore_mem>>) src(%dma_wait3A_84 : memref<400x64xf32, #tpu.memory_space<vmem>>) dst(%dma_wait3A_80 : memref<400x64xf32, #tpu.memory_space<hbm>>)
    %rem3A_85 = arith.constant 62 : i32
    %rem3A_86 = arith.constant 4 : i32
    %rem3A_87 = arith.remsi %rem3A_85, %rem3A_86 : i32
    %add3A_88 = arith.constant 24800 : i32
    %add3A_89 = arith.addi %sub3A, %add3A_88 : i32
    %dma_wait3A_90 = arith.constant 0 : i32
    %dma_wait3A_91 = arith.constant 0 : i32
    %dma_wait3A_92 = tpu.memref_slice %arg12[%rem3A_87, %dma_wait3A_90, %dma_wait3A_91] : memref<4x400x64xf32, #tpu.memory_space<vmem>> -> memref<1x400x64xf32, #tpu.memory_space<vmem>>
    %dma_wait3A_93 = tpu.memref_squeeze %dma_wait3A_92 : memref<1x400x64xf32, #tpu.memory_space<vmem>> -> memref<400x64xf32, #tpu.memory_space<vmem>>
    %dma_wait3A_94 = arith.constant 0 : i32
    %dma_wait3A_95 = tpu.memref_slice %arg8[%add3A_89, %dma_wait3A_94] : memref<409600x128xf32, #tpu.memory_space<hbm>> -> memref<400x64xf32, #tpu.memory_space<hbm>>
    %dma_wait3A_96 = tpu.memref_slice %arg14[%rem3A_87] : memref<4x!tpu.dma_semaphore, #tpu.memory_space<semaphore_mem>> -> memref<1x!tpu.dma_semaphore, #tpu.memory_space<semaphore_mem>>
    %dma_wait3A_97 = tpu.memref_squeeze %dma_wait3A_96 : memref<1x!tpu.dma_semaphore, #tpu.memory_space<semaphore_mem>> -> memref<!tpu.dma_semaphore, #tpu.memory_space<semaphore_mem>>
    %dma_wait3A_98 = arith.constant 0 : i32
    %dma_wait3A_99 = tpu.memref_slice %arg8[%add3A_89, %dma_wait3A_98] : memref<409600x128xf32, #tpu.memory_space<hbm>> -> memref<400x64xf32, #tpu.memory_space<hbm>>
    %dma_wait3A_100 = arith.constant 0 : i32
    %dma_wait3A_101 = arith.constant 0 : i32
    %dma_wait3A_102 = tpu.memref_slice %arg12[%rem3A_87, %dma_wait3A_100, %dma_wait3A_101] : memref<4x400x64xf32, #tpu.memory_space<vmem>> -> memref<1x400x64xf32, #tpu.memory_space<vmem>>
    %dma_wait3A_103 = tpu.memref_squeeze %dma_wait3A_102 : memref<1x400x64xf32, #tpu.memory_space<vmem>> -> memref<400x64xf32, #tpu.memory_space<vmem>>
    tpu.wait_dma2 semaphore(%dma_wait3A_97 : memref<!tpu.dma_semaphore, #tpu.memory_space<semaphore_mem>>) src(%dma_wait3A_103 : memref<400x64xf32, #tpu.memory_space<vmem>>) dst(%dma_wait3A_99 : memref<400x64xf32, #tpu.memory_space<hbm>>)
    %rem3A_104 = arith.constant 63 : i32
    %rem3A_105 = arith.constant 4 : i32
    %rem3A_106 = arith.remsi %rem3A_104, %rem3A_105 : i32
    %add3A_107 = arith.constant 25200 : i32
    %add3A_108 = arith.addi %sub3A, %add3A_107 : i32
    %dma_wait3A_109 = arith.constant 0 : i32
    %dma_wait3A_110 = arith.constant 0 : i32
    %dma_wait3A_111 = tpu.memref_slice %arg12[%rem3A_106, %dma_wait3A_109, %dma_wait3A_110] : memref<4x400x64xf32, #tpu.memory_space<vmem>> -> memref<1x400x64xf32, #tpu.memory_space<vmem>>
    %dma_wait3A_112 = tpu.memref_squeeze %dma_wait3A_111 : memref<1x400x64xf32, #tpu.memory_space<vmem>> -> memref<400x64xf32, #tpu.memory_space<vmem>>
    %dma_wait3A_113 = arith.constant 0 : i32
    %dma_wait3A_114 = tpu.memref_slice %arg8[%add3A_108, %dma_wait3A_113] : memref<409600x128xf32, #tpu.memory_space<hbm>> -> memref<400x64xf32, #tpu.memory_space<hbm>>
    %dma_wait3A_115 = tpu.memref_slice %arg14[%rem3A_106] : memref<4x!tpu.dma_semaphore, #tpu.memory_space<semaphore_mem>> -> memref<1x!tpu.dma_semaphore, #tpu.memory_space<semaphore_mem>>
    %dma_wait3A_116 = tpu.memref_squeeze %dma_wait3A_115 : memref<1x!tpu.dma_semaphore, #tpu.memory_space<semaphore_mem>> -> memref<!tpu.dma_semaphore, #tpu.memory_space<semaphore_mem>>
    %dma_wait3A_117 = arith.constant 0 : i32
    %dma_wait3A_118 = tpu.memref_slice %arg8[%add3A_108, %dma_wait3A_117] : memref<409600x128xf32, #tpu.memory_space<hbm>> -> memref<400x64xf32, #tpu.memory_space<hbm>>
    %dma_wait3A_119 = arith.constant 0 : i32
    %dma_wait3A_120 = arith.constant 0 : i32
    %dma_wait3A_121 = tpu.memref_slice %arg12[%rem3A_106, %dma_wait3A_119, %dma_wait3A_120] : memref<4x400x64xf32, #tpu.memory_space<vmem>> -> memref<1x400x64xf32, #tpu.memory_space<vmem>>
    %dma_wait3A_122 = tpu.memref_squeeze %dma_wait3A_121 : memref<1x400x64xf32, #tpu.memory_space<vmem>> -> memref<400x64xf32, #tpu.memory_space<vmem>>
    tpu.wait_dma2 semaphore(%dma_wait3A_116 : memref<!tpu.dma_semaphore, #tpu.memory_space<semaphore_mem>>) src(%dma_wait3A_122 : memref<400x64xf32, #tpu.memory_space<vmem>>) dst(%dma_wait3A_118 : memref<400x64xf32, #tpu.memory_space<hbm>>)
    %mul3A_123 = arith.constant 6400 : i32
    %mul3A_124 = arith.muli %add3A, %mul3A_123 : i32
    %lt3A_125 = arith.constant 16 : i32
    %lt3A_126 = arith.cmpi slt, %add3A, %lt3A_125 : i32
    %jit3A_127 = arith.constant 0 : i32
    %jit3A_128 = arith.constant 102400 : i32
    %select_n3A_129 = arith.select %lt3A_126, %jit3A_127, %jit3A_128 : i32
    %sub3A_130 = arith.subi %mul3A_124, %select_n3A_129 : i32
    "tpu.region"() ({
      %run_scoped3A = tpu.sem_alloc : memref<!tpu.dma_semaphore, #tpu.memory_space<semaphore_mem>>
      %dma_start3A_383 = arith.constant 0 : i32
      %dma_start3A_384 = tpu.memref_slice %arg11[%dma_start3A_383] : memref<25600xi32, #tpu.memory_space<vmem>> -> memref<6400xi32, #tpu.memory_space<vmem>>
      %dma_start3A_385 = tpu.memref_slice %arg3[%mul3A_124] : memref<204800xi32, #tpu.memory_space<hbm>> -> memref<6400xi32, #tpu.memory_space<hbm>>
      %dma_start3A_386 = arith.constant 0 : i32
      %dma_start3A_387 = tpu.memref_slice %arg11[%dma_start3A_386] : memref<25600xi32, #tpu.memory_space<vmem>> -> memref<6400xi32, #tpu.memory_space<vmem>>
      %dma_start3A_388 = tpu.memref_slice %arg3[%mul3A_124] : memref<204800xi32, #tpu.memory_space<hbm>> -> memref<6400xi32, #tpu.memory_space<hbm>>
      tpu.enqueue_dma source(%dma_start3A_388 : memref<6400xi32, #tpu.memory_space<hbm>>) target(%dma_start3A_387 : memref<6400xi32, #tpu.memory_space<vmem>>) target_semaphore(%run_scoped3A : memref<!tpu.dma_semaphore, #tpu.memory_space<semaphore_mem>>)
      %dma_wait3A_389 = arith.constant 0 : i32
      %dma_wait3A_390 = tpu.memref_slice %arg11[%dma_wait3A_389] : memref<25600xi32, #tpu.memory_space<vmem>> -> memref<6400xi32, #tpu.memory_space<vmem>>
      %dma_wait3A_391 = tpu.memref_slice %arg3[%mul3A_124] : memref<204800xi32, #tpu.memory_space<hbm>> -> memref<6400xi32, #tpu.memory_space<hbm>>
      %dma_wait3A_392 = arith.constant 0 : i32
      %dma_wait3A_393 = tpu.memref_slice %arg11[%dma_wait3A_392] : memref<25600xi32, #tpu.memory_space<vmem>> -> memref<6400xi32, #tpu.memory_space<vmem>>
      %dma_wait3A_394 = tpu.memref_slice %arg3[%mul3A_124] : memref<204800xi32, #tpu.memory_space<hbm>> -> memref<6400xi32, #tpu.memory_space<hbm>>
      tpu.wait_dma2 semaphore(%run_scoped3A : memref<!tpu.dma_semaphore, #tpu.memory_space<semaphore_mem>>) src(%dma_wait3A_394 : memref<6400xi32, #tpu.memory_space<hbm>>) dst(%dma_wait3A_393 : memref<6400xi32, #tpu.memory_space<vmem>>)
      tpu.yield
    }) : () -> ()
    %dma_start3A_131 = arith.constant 0 : i32
    %dma_start3A_132 = arith.constant 0 : i32
    %dma_start3A_133 = arith.constant 0 : i32
    %dma_start3A_134 = arith.constant 0 : i32
    %dma_start3A_135 = tpu.memref_slice %arg12[%dma_start3A_131, %dma_start3A_133, %dma_start3A_134] : memref<4x400x64xf32, #tpu.memory_space<vmem>> -> memref<1x400x64xf32, #tpu.memory_space<vmem>>
    %dma_start3A_136 = tpu.memref_squeeze %dma_start3A_135 : memref<1x400x64xf32, #tpu.memory_space<vmem>> -> memref<400x64xf32, #tpu.memory_space<vmem>>
    %dma_start3A_137 = arith.constant 0 : i32
    %dma_start3A_138 = tpu.memref_slice %arg11[%dma_start3A_137] : memref<25600xi32, #tpu.memory_space<vmem>> -> memref<400xi32, #tpu.memory_space<vmem>>
    %dma_start3A_139 = arith.constant 0 : i32
    %dma_start3A_140 = arith.constant 0 : i32
    %dma_start3A_141 = tpu.memref_slice %arg6[%dma_start3A_139, %dma_start3A_140] : memref<100000x64xf32, #tpu.memory_space<hbm>> -> memref<100000x64xf32, #tpu.memory_space<hbm>>
    %dma_start3A_142 = tpu.memref_slice %arg13[%dma_start3A_132] : memref<4x!tpu.dma_semaphore, #tpu.memory_space<semaphore_mem>> -> memref<1x!tpu.dma_semaphore, #tpu.memory_space<semaphore_mem>>
    %dma_start3A_143 = tpu.memref_squeeze %dma_start3A_142 : memref<1x!tpu.dma_semaphore, #tpu.memory_space<semaphore_mem>> -> memref<!tpu.dma_semaphore, #tpu.memory_space<semaphore_mem>>
    tpu.enqueue_indirect_dma source(%dma_start3A_141 : memref<100000x64xf32, #tpu.memory_space<hbm>>) target(%dma_start3A_136 : memref<400x64xf32, #tpu.memory_space<vmem>>) offsets(%dma_start3A_138 : memref<400xi32, #tpu.memory_space<vmem>>) semaphore(%dma_start3A_143 : memref<!tpu.dma_semaphore, #tpu.memory_space<semaphore_mem>>)
    %dma_start3A_144 = arith.constant 1 : i32
    %dma_start3A_145 = arith.constant 1 : i32
    %dma_start3A_146 = arith.constant 0 : i32
    %dma_start3A_147 = arith.constant 0 : i32
    %dma_start3A_148 = tpu.memref_slice %arg12[%dma_start3A_144, %dma_start3A_146, %dma_start3A_147] : memref<4x400x64xf32, #tpu.memory_space<vmem>> -> memref<1x400x64xf32, #tpu.memory_space<vmem>>
    %dma_start3A_149 = tpu.memref_squeeze %dma_start3A_148 : memref<1x400x64xf32, #tpu.memory_space<vmem>> -> memref<400x64xf32, #tpu.memory_space<vmem>>
    %dma_start3A_150 = arith.constant 400 : i32
    %dma_start3A_151 = tpu.memref_slice %arg11[%dma_start3A_150] : memref<25600xi32, #tpu.memory_space<vmem>> -> memref<400xi32, #tpu.memory_space<vmem>>
    %dma_start3A_152 = arith.constant 0 : i32
    %dma_start3A_153 = arith.constant 0 : i32
    %dma_start3A_154 = tpu.memref_slice %arg6[%dma_start3A_152, %dma_start3A_153] : memref<100000x64xf32, #tpu.memory_space<hbm>> -> memref<100000x64xf32, #tpu.memory_space<hbm>>
    %dma_start3A_155 = tpu.memref_slice %arg13[%dma_start3A_145] : memref<4x!tpu.dma_semaphore, #tpu.memory_space<semaphore_mem>> -> memref<1x!tpu.dma_semaphore, #tpu.memory_space<semaphore_mem>>
    %dma_start3A_156 = tpu.memref_squeeze %dma_start3A_155 : memref<1x!tpu.dma_semaphore, #tpu.memory_space<semaphore_mem>> -> memref<!tpu.dma_semaphore, #tpu.memory_space<semaphore_mem>>
    tpu.enqueue_indirect_dma source(%dma_start3A_154 : memref<100000x64xf32, #tpu.memory_space<hbm>>) target(%dma_start3A_149 : memref<400x64xf32, #tpu.memory_space<vmem>>) offsets(%dma_start3A_151 : memref<400xi32, #tpu.memory_space<vmem>>) semaphore(%dma_start3A_156 : memref<!tpu.dma_semaphore, #tpu.memory_space<semaphore_mem>>)
    %dma_start3A_157 = arith.constant 2 : i32
    %dma_start3A_158 = arith.constant 2 : i32
    %dma_start3A_159 = arith.constant 0 : i32
    %dma_start3A_160 = arith.constant 0 : i32
    %dma_start3A_161 = tpu.memref_slice %arg12[%dma_start3A_157, %dma_start3A_159, %dma_start3A_160] : memref<4x400x64xf32, #tpu.memory_space<vmem>> -> memref<1x400x64xf32, #tpu.memory_space<vmem>>
    %dma_start3A_162 = tpu.memref_squeeze %dma_start3A_161 : memref<1x400x64xf32, #tpu.memory_space<vmem>> -> memref<400x64xf32, #tpu.memory_space<vmem>>
    %dma_start3A_163 = arith.constant 800 : i32
    %dma_start3A_164 = tpu.memref_slice %arg11[%dma_start3A_163] : memref<25600xi32, #tpu.memory_space<vmem>> -> memref<400xi32, #tpu.memory_space<vmem>>
    %dma_start3A_165 = arith.constant 0 : i32
    %dma_start3A_166 = arith.constant 0 : i32
    %dma_start3A_167 = tpu.memref_slice %arg6[%dma_start3A_165, %dma_start3A_166] : memref<100000x64xf32, #tpu.memory_space<hbm>> -> memref<100000x64xf32, #tpu.memory_space<hbm>>
    %dma_start3A_168 = tpu.memref_slice %arg13[%dma_start3A_158] : memref<4x!tpu.dma_semaphore, #tpu.memory_space<semaphore_mem>> -> memref<1x!tpu.dma_semaphore, #tpu.memory_space<semaphore_mem>>
    %dma_start3A_169 = tpu.memref_squeeze %dma_start3A_168 : memref<1x!tpu.dma_semaphore, #tpu.memory_space<semaphore_mem>> -> memref<!tpu.dma_semaphore, #tpu.memory_space<semaphore_mem>>
    tpu.enqueue_indirect_dma source(%dma_start3A_167 : memref<100000x64xf32, #tpu.memory_space<hbm>>) target(%dma_start3A_162 : memref<400x64xf32, #tpu.memory_space<vmem>>) offsets(%dma_start3A_164 : memref<400xi32, #tpu.memory_space<vmem>>) semaphore(%dma_start3A_169 : memref<!tpu.dma_semaphore, #tpu.memory_space<semaphore_mem>>)
    %scan3A_170 = arith.constant 0 : i32
    %scan3A_171 = arith.constant 0 : i32
    %scan3A_172 = arith.constant 16 : i32
    %scan3A_173 = arith.addi %scan3A_171, %scan3A_172 : i32
    %scan3A_174 = arith.constant 1 : i32
    %scan3A_175 = scf.for %scan3A_383 = %scan3A_171 to %scan3A_173 step %scan3A_174 iter_args(%scan3A_384 = %scan3A_170) -> (i32)  : i32 {
      %rem3A_385 = arith.constant 4 : i32
      %rem3A_386 = arith.remsi %scan3A_383, %rem3A_385 : i32
      %mul3A_387 = arith.constant 400 : i32
      %mul3A_388 = arith.muli %scan3A_383, %mul3A_387 : i32
      %dma_wait3A_389 = arith.constant 0 : i32
      %dma_wait3A_390 = arith.constant 0 : i32
      %dma_wait3A_391 = tpu.memref_slice %arg12[%rem3A_386, %dma_wait3A_389, %dma_wait3A_390] : memref<4x400x64xf32, #tpu.memory_space<vmem>> -> memref<1x400x64xf32, #tpu.memory_space<vmem>>
      %dma_wait3A_392 = tpu.memref_squeeze %dma_wait3A_391 : memref<1x400x64xf32, #tpu.memory_space<vmem>> -> memref<400x64xf32, #tpu.memory_space<vmem>>
      %dma_wait3A_393 = tpu.memref_slice %arg11[%mul3A_388] : memref<25600xi32, #tpu.memory_space<vmem>> -> memref<400xi32, #tpu.memory_space<vmem>>
      %dma_wait3A_394 = arith.constant 0 : i32
      %dma_wait3A_395 = arith.constant 0 : i32
      %dma_wait3A_396 = tpu.memref_slice %arg6[%dma_wait3A_394, %dma_wait3A_395] : memref<100000x64xf32, #tpu.memory_space<hbm>> -> memref<100000x64xf32, #tpu.memory_space<hbm>>
      %dma_wait3A_397 = tpu.memref_slice %arg13[%rem3A_386] : memref<4x!tpu.dma_semaphore, #tpu.memory_space<semaphore_mem>> -> memref<1x!tpu.dma_semaphore, #tpu.memory_space<semaphore_mem>>
      %dma_wait3A_398 = tpu.memref_squeeze %dma_wait3A_397 : memref<1x!tpu.dma_semaphore, #tpu.memory_space<semaphore_mem>> -> memref<!tpu.dma_semaphore, #tpu.memory_space<semaphore_mem>>
      tpu.wait_indirect_dma semaphore(%dma_wait3A_398 : memref<!tpu.dma_semaphore, #tpu.memory_space<semaphore_mem>>) src(%dma_wait3A_396 : memref<100000x64xf32, #tpu.memory_space<hbm>>) dst(%dma_wait3A_392 : memref<400x64xf32, #tpu.memory_space<vmem>>)
      %scan3A_399 = arith.constant 0 : i32
      %scan3A_400 = arith.constant 0 : i32
      %scan3A_401 = arith.constant 400 : i32
      %scan3A_402 = arith.addi %scan3A_400, %scan3A_401 : i32
      %scan3A_403 = arith.constant 2 : i32
      %scan3A_404 = scf.for %scan3A_421 = %scan3A_400 to %scan3A_402 step %scan3A_403 iter_args(%scan3A_422 = %scan3A_399) -> (i32)  : i32 {
        %get3A = arith.index_cast %rem3A_386 : i32 to index
        %get3A_423 = arith.index_cast %scan3A_421 : i32 to index
        %get3A_424 = arith.constant 0 : index
        %get3A_425 = tpu.vector_load %arg12[%get3A, %get3A_423, %get3A_424] {strides = array<i32>} : memref<4x400x64xf32, #tpu.memory_space<vmem>>, vector<1x1x16xf32>,
        %get3A_426 = vector.shape_cast %get3A_425 : vector<1x1x16xf32> to vector<16xf32>
        %max3A = arith.constant 0.000000e+00 : f32
        %max3A_427 = vector.broadcast %max3A : f32 to vector<16xf32>
        %max3A_428 = arith.maximumf %get3A_426, %max3A_427 : vector<16xf32>
        %swap3A = arith.index_cast %rem3A_386 : i32 to index
        %swap3A_429 = arith.index_cast %scan3A_421 : i32 to index
        %swap3A_430 = arith.constant 0 : index
        %swap3A_431 = tpu.vector_load %arg12[%swap3A, %swap3A_429, %swap3A_430] {strides = array<i32>} : memref<4x400x64xf32, #tpu.memory_space<vmem>>, vector<1x1x16xf32>,
        %swap3A_432 = vector.shape_cast %swap3A_431 : vector<1x1x16xf32> to vector<16xf32>
        %swap3A_433 = vector.shape_cast %max3A_428 : vector<16xf32> to vector<1x1x16xf32>
        tpu.vector_store %arg12[%swap3A, %swap3A_429, %swap3A_430], %swap3A_433 {strides = array<i32>} : memref<4x400x64xf32, #tpu.memory_space<vmem>>, vector<1x1x16xf32>,
        %get3A_434 = arith.index_cast %rem3A_386 : i32 to index
        %get3A_435 = arith.index_cast %scan3A_421 : i32 to index
        %get3A_436 = arith.constant 16 : index
        %get3A_437 = tpu.vector_load %arg12[%get3A_434, %get3A_435, %get3A_436] {strides = array<i32>} : memref<4x400x64xf32, #tpu.memory_space<vmem>>, vector<1x1x16xf32>,
        %get3A_438 = vector.shape_cast %get3A_437 : vector<1x1x16xf32> to vector<16xf32>
        %max3A_439 = arith.constant 0.000000e+00 : f32
        %max3A_440 = vector.broadcast %max3A_439 : f32 to vector<16xf32>
        %max3A_441 = arith.maximumf %get3A_438, %max3A_440 : vector<16xf32>
        %swap3A_442 = arith.index_cast %rem3A_386 : i32 to index
        %swap3A_443 = arith.index_cast %scan3A_421 : i32 to index
        %swap3A_444 = arith.constant 16 : index
        %swap3A_445 = tpu.vector_load %arg12[%swap3A_442, %swap3A_443, %swap3A_444] {strides = array<i32>} : memref<4x400x64xf32, #tpu.memory_space<vmem>>, vector<1x1x16xf32>,
        %swap3A_446 = vector.shape_cast %swap3A_445 : vector<1x1x16xf32> to vector<16xf32>
        %swap3A_447 = vector.shape_cast %max3A_441 : vector<16xf32> to vector<1x1x16xf32>
        tpu.vector_store %arg12[%swap3A_442, %swap3A_443, %swap3A_444], %swap3A_447 {strides = array<i32>} : memref<4x400x64xf32, #tpu.memory_space<vmem>>, vector<1x1x16xf32>,
        %get3A_448 = arith.index_cast %rem3A_386 : i32 to index
        %get3A_449 = arith.index_cast %scan3A_421 : i32 to index
        %get3A_450 = arith.constant 32 : index
        %get3A_451 = tpu.vector_load %arg12[%get3A_448, %get3A_449, %get3A_450] {strides = array<i32>} : memref<4x400x64xf32, #tpu.memory_space<vmem>>, vector<1x1x16xf32>,
        %get3A_452 = vector.shape_cast %get3A_451 : vector<1x1x16xf32> to vector<16xf32>
        %max3A_453 = arith.constant 0.000000e+00 : f32
        %max3A_454 = vector.broadcast %max3A_453 : f32 to vector<16xf32>
        %max3A_455 = arith.maximumf %get3A_452, %max3A_454 : vector<16xf32>
        %swap3A_456 = arith.index_cast %rem3A_386 : i32 to index
        %swap3A_457 = arith.index_cast %scan3A_421 : i32 to index
        %swap3A_458 = arith.constant 32 : index
        %swap3A_459 = tpu.vector_load %arg12[%swap3A_456, %swap3A_457, %swap3A_458] {strides = array<i32>} : memref<4x400x64xf32, #tpu.memory_space<vmem>>, vector<1x1x16xf32>,
        %swap3A_460 = vector.shape_cast %swap3A_459 : vector<1x1x16xf32> to vector<16xf32>
        %swap3A_461 = vector.shape_cast %max3A_455 : vector<16xf32> to vector<1x1x16xf32>
        tpu.vector_store %arg12[%swap3A_456, %swap3A_457, %swap3A_458], %swap3A_461 {strides = array<i32>} : memref<4x400x64xf32, #tpu.memory_space<vmem>>, vector<1x1x16xf32>,
        %get3A_462 = arith.index_cast %rem3A_386 : i32 to index
        %get3A_463 = arith.index_cast %scan3A_421 : i32 to index
        %get3A_464 = arith.constant 48 : index
        %get3A_465 = tpu.vector_load %arg12[%get3A_462, %get3A_463, %get3A_464] {strides = array<i32>} : memref<4x400x64xf32, #tpu.memory_space<vmem>>, vector<1x1x16xf32>,
        %get3A_466 = vector.shape_cast %get3A_465 : vector<1x1x16xf32> to vector<16xf32>
        %max3A_467 = arith.constant 0.000000e+00 : f32
        %max3A_468 = vector.broadcast %max3A_467 : f32 to vector<16xf32>
        %max3A_469 = arith.maximumf %get3A_466, %max3A_468 : vector<16xf32>
        %swap3A_470 = arith.index_cast %rem3A_386 : i32 to index
        %swap3A_471 = arith.index_cast %scan3A_421 : i32 to index
        %swap3A_472 = arith.constant 48 : index
        %swap3A_473 = tpu.vector_load %arg12[%swap3A_470, %swap3A_471, %swap3A_472] {strides = array<i32>} : memref<4x400x64xf32, #tpu.memory_space<vmem>>, vector<1x1x16xf32>,
        %swap3A_474 = vector.shape_cast %swap3A_473 : vector<1x1x16xf32> to vector<16xf32>
        %swap3A_475 = vector.shape_cast %max3A_469 : vector<16xf32> to vector<1x1x16xf32>
        tpu.vector_store %arg12[%swap3A_470, %swap3A_471, %swap3A_472], %swap3A_475 {strides = array<i32>} : memref<4x400x64xf32, #tpu.memory_space<vmem>>, vector<1x1x16xf32>,
        %scan3A_476 = arith.constant 0 : i32
        %scan3A_477 = arith.constant 1 : i32
        %scan3A_478 = arith.addi %scan3A_421, %scan3A_477 : i32
        %get3A_479 = arith.index_cast %rem3A_386 : i32 to index
        %get3A_480 = arith.index_cast %scan3A_478 : i32 to index
        %get3A_481 = arith.constant 0 : index
        %get3A_482 = tpu.vector_load %arg12[%get3A_479, %get3A_480, %get3A_481] {strides = array<i32>} : memref<4x400x64xf32, #tpu.memory_space<vmem>>, vector<1x1x16xf32>,
        %get3A_483 = vector.shape_cast %get3A_482 : vector<1x1x16xf32> to vector<16xf32>
        %max3A_484 = arith.constant 0.000000e+00 : f32
        %max3A_485 = vector.broadcast %max3A_484 : f32 to vector<16xf32>
        %max3A_486 = arith.maximumf %get3A_483, %max3A_485 : vector<16xf32>
        %swap3A_487 = arith.index_cast %rem3A_386 : i32 to index
        %swap3A_488 = arith.index_cast %scan3A_478 : i32 to index
        %swap3A_489 = arith.constant 0 : index
        %swap3A_490 = tpu.vector_load %arg12[%swap3A_487, %swap3A_488, %swap3A_489] {strides = array<i32>} : memref<4x400x64xf32, #tpu.memory_space<vmem>>, vector<1x1x16xf32>,
        %swap3A_491 = vector.shape_cast %swap3A_490 : vector<1x1x16xf32> to vector<16xf32>
        %swap3A_492 = vector.shape_cast %max3A_486 : vector<16xf32> to vector<1x1x16xf32>
        tpu.vector_store %arg12[%swap3A_487, %swap3A_488, %swap3A_489], %swap3A_492 {strides = array<i32>} : memref<4x400x64xf32, #tpu.memory_space<vmem>>, vector<1x1x16xf32>,
        %get3A_493 = arith.index_cast %rem3A_386 : i32 to index
        %get3A_494 = arith.index_cast %scan3A_478 : i32 to index
        %get3A_495 = arith.constant 16 : index
        %get3A_496 = tpu.vector_load %arg12[%get3A_493, %get3A_494, %get3A_495] {strides = array<i32>} : memref<4x400x64xf32, #tpu.memory_space<vmem>>, vector<1x1x16xf32>,
        %get3A_497 = vector.shape_cast %get3A_496 : vector<1x1x16xf32> to vector<16xf32>
        %max3A_498 = arith.constant 0.000000e+00 : f32
        %max3A_499 = vector.broadcast %max3A_498 : f32 to vector<16xf32>
        %max3A_500 = arith.maximumf %get3A_497, %max3A_499 : vector<16xf32>
        %swap3A_501 = arith.index_cast %rem3A_386 : i32 to index
        %swap3A_502 = arith.index_cast %scan3A_478 : i32 to index
        %swap3A_503 = arith.constant 16 : index
        %swap3A_504 = tpu.vector_load %arg12[%swap3A_501, %swap3A_502, %swap3A_503] {strides = array<i32>} : memref<4x400x64xf32, #tpu.memory_space<vmem>>, vector<1x1x16xf32>,
        %swap3A_505 = vector.shape_cast %swap3A_504 : vector<1x1x16xf32> to vector<16xf32>
        %swap3A_506 = vector.shape_cast %max3A_500 : vector<16xf32> to vector<1x1x16xf32>
        tpu.vector_store %arg12[%swap3A_501, %swap3A_502, %swap3A_503], %swap3A_506 {strides = array<i32>} : memref<4x400x64xf32, #tpu.memory_space<vmem>>, vector<1x1x16xf32>,
        %get3A_507 = arith.index_cast %rem3A_386 : i32 to index
        %get3A_508 = arith.index_cast %scan3A_478 : i32 to index
        %get3A_509 = arith.constant 32 : index
        %get3A_510 = tpu.vector_load %arg12[%get3A_507, %get3A_508, %get3A_509] {strides = array<i32>} : memref<4x400x64xf32, #tpu.memory_space<vmem>>, vector<1x1x16xf32>,
        %get3A_511 = vector.shape_cast %get3A_510 : vector<1x1x16xf32> to vector<16xf32>
        %max3A_512 = arith.constant 0.000000e+00 : f32
        %max3A_513 = vector.broadcast %max3A_512 : f32 to vector<16xf32>
        %max3A_514 = arith.maximumf %get3A_511, %max3A_513 : vector<16xf32>
        %swap3A_515 = arith.index_cast %rem3A_386 : i32 to index
        %swap3A_516 = arith.index_cast %scan3A_478 : i32 to index
        %swap3A_517 = arith.constant 32 : index
        %swap3A_518 = tpu.vector_load %arg12[%swap3A_515, %swap3A_516, %swap3A_517] {strides = array<i32>} : memref<4x400x64xf32, #tpu.memory_space<vmem>>, vector<1x1x16xf32>,
        %swap3A_519 = vector.shape_cast %swap3A_518 : vector<1x1x16xf32> to vector<16xf32>
        %swap3A_520 = vector.shape_cast %max3A_514 : vector<16xf32> to vector<1x1x16xf32>
        tpu.vector_store %arg12[%swap3A_515, %swap3A_516, %swap3A_517], %swap3A_520 {strides = array<i32>} : memref<4x400x64xf32, #tpu.memory_space<vmem>>, vector<1x1x16xf32>,
        %get3A_521 = arith.index_cast %rem3A_386 : i32 to index
        %get3A_522 = arith.index_cast %scan3A_478 : i32 to index
        %get3A_523 = arith.constant 48 : index
        %get3A_524 = tpu.vector_load %arg12[%get3A_521, %get3A_522, %get3A_523] {strides = array<i32>} : memref<4x400x64xf32, #tpu.memory_space<vmem>>, vector<1x1x16xf32>,
        %get3A_525 = vector.shape_cast %get3A_524 : vector<1x1x16xf32> to vector<16xf32>
        %max3A_526 = arith.constant 0.000000e+00 : f32
        %max3A_527 = vector.broadcast %max3A_526 : f32 to vector<16xf32>
        %max3A_528 = arith.maximumf %get3A_525, %max3A_527 : vector<16xf32>
        %swap3A_529 = arith.index_cast %rem3A_386 : i32 to index
        %swap3A_530 = arith.index_cast %scan3A_478 : i32 to index
        %swap3A_531 = arith.constant 48 : index
        %swap3A_532 = tpu.vector_load %arg12[%swap3A_529, %swap3A_530, %swap3A_531] {strides = array<i32>} : memref<4x400x64xf32, #tpu.memory_space<vmem>>, vector<1x1x16xf32>,
        %swap3A_533 = vector.shape_cast %swap3A_532 : vector<1x1x16xf32> to vector<16xf32>
        %swap3A_534 = vector.shape_cast %max3A_528 : vector<16xf32> to vector<1x1x16xf32>
        tpu.vector_store %arg12[%swap3A_529, %swap3A_530, %swap3A_531], %swap3A_534 {strides = array<i32>} : memref<4x400x64xf32, #tpu.memory_space<vmem>>, vector<1x1x16xf32>,
        %scan3A_535 = arith.constant 0 : i32
        scf.yield %scan3A_535 : i32
      }
      %scan3A_405 = arith.constant 400 : i32
      %convert_element_type3A = arith.extui %lt3A_126 : i1 to i32
      %cond3A = arith.constant 0 : i32
      %cond3A_406 = arith.cmpi ne, %convert_element_type3A, %cond3A : i32
      scf.if %cond3A_406 {
        %mul3A_421 = arith.constant 400 : i32
        %mul3A_422 = arith.muli %scan3A_383, %mul3A_421 : i32
        %add3A_423 = arith.addi %sub3A_130, %mul3A_422 : i32
        %dma_start3A_424 = arith.constant 0 : i32
        %dma_start3A_425 = arith.constant 0 : i32
        %dma_start3A_426 = tpu.memref_slice %arg12[%rem3A_386, %dma_start3A_424, %dma_start3A_425] : memref<4x400x64xf32, #tpu.memory_space<vmem>> -> memref<1x400x64xf32, #tpu.memory_space<vmem>>
        %dma_start3A_427 = tpu.memref_squeeze %dma_start3A_426 : memref<1x400x64xf32, #tpu.memory_space<vmem>> -> memref<400x64xf32, #tpu.memory_space<vmem>>
        %dma_start3A_428 = arith.constant 0 : i32
        %dma_start3A_429 = tpu.memref_slice %arg9[%add3A_423, %dma_start3A_428] : memref<102400x128xf32, #tpu.memory_space<hbm>> -> memref<400x64xf32, #tpu.memory_space<hbm>>
        %dma_start3A_430 = tpu.memref_slice %arg14[%rem3A_386] : memref<4x!tpu.dma_semaphore, #tpu.memory_space<semaphore_mem>> -> memref<1x!tpu.dma_semaphore, #tpu.memory_space<semaphore_mem>>
        %dma_start3A_431 = tpu.memref_squeeze %dma_start3A_430 : memref<1x!tpu.dma_semaphore, #tpu.memory_space<semaphore_mem>> -> memref<!tpu.dma_semaphore, #tpu.memory_space<semaphore_mem>>
        %dma_start3A_432 = arith.constant 0 : i32
        %dma_start3A_433 = tpu.memref_slice %arg9[%add3A_423, %dma_start3A_432] : memref<102400x128xf32, #tpu.memory_space<hbm>> -> memref<400x64xf32, #tpu.memory_space<hbm>>
        %dma_start3A_434 = arith.constant 0 : i32
        %dma_start3A_435 = arith.constant 0 : i32
        %dma_start3A_436 = tpu.memref_slice %arg12[%rem3A_386, %dma_start3A_434, %dma_start3A_435] : memref<4x400x64xf32, #tpu.memory_space<vmem>> -> memref<1x400x64xf32, #tpu.memory_space<vmem>>
        %dma_start3A_437 = tpu.memref_squeeze %dma_start3A_436 : memref<1x400x64xf32, #tpu.memory_space<vmem>> -> memref<400x64xf32, #tpu.memory_space<vmem>>
        tpu.enqueue_dma source(%dma_start3A_437 : memref<400x64xf32, #tpu.memory_space<vmem>>) target(%dma_start3A_433 : memref<400x64xf32, #tpu.memory_space<hbm>>) target_semaphore(%dma_start3A_431 : memref<!tpu.dma_semaphore, #tpu.memory_space<semaphore_mem>>)
      } else {
      }
      %not3A = arith.constant true
      %not3A_407 = arith.xori %lt3A_126, %not3A : i1
      %convert_element_type3A_408 = arith.extui %not3A_407 : i1 to i32
      %cond3A_409 = arith.constant 0 : i32
      %cond3A_410 = arith.cmpi ne, %convert_element_type3A_408, %cond3A_409 : i32
      scf.if %cond3A_410 {
        %mul3A_421 = arith.constant 400 : i32
        %mul3A_422 = arith.muli %scan3A_383, %mul3A_421 : i32
        %add3A_423 = arith.addi %sub3A_130, %mul3A_422 : i32
        %dma_start3A_424 = arith.constant 0 : i32
        %dma_start3A_425 = arith.constant 0 : i32
        %dma_start3A_426 = tpu.memref_slice %arg12[%rem3A_386, %dma_start3A_424, %dma_start3A_425] : memref<4x400x64xf32, #tpu.memory_space<vmem>> -> memref<1x400x64xf32, #tpu.memory_space<vmem>>
        %dma_start3A_427 = tpu.memref_squeeze %dma_start3A_426 : memref<1x400x64xf32, #tpu.memory_space<vmem>> -> memref<400x64xf32, #tpu.memory_space<vmem>>
        %dma_start3A_428 = arith.constant 64 : i32
        %dma_start3A_429 = tpu.memref_slice %arg9[%add3A_423, %dma_start3A_428] : memref<102400x128xf32, #tpu.memory_space<hbm>> -> memref<400x64xf32, #tpu.memory_space<hbm>>
        %dma_start3A_430 = tpu.memref_slice %arg14[%rem3A_386] : memref<4x!tpu.dma_semaphore, #tpu.memory_space<semaphore_mem>> -> memref<1x!tpu.dma_semaphore, #tpu.memory_space<semaphore_mem>>
        %dma_start3A_431 = tpu.memref_squeeze %dma_start3A_430 : memref<1x!tpu.dma_semaphore, #tpu.memory_space<semaphore_mem>> -> memref<!tpu.dma_semaphore, #tpu.memory_space<semaphore_mem>>
        %dma_start3A_432 = arith.constant 64 : i32
        %dma_start3A_433 = tpu.memref_slice %arg9[%add3A_423, %dma_start3A_432] : memref<102400x128xf32, #tpu.memory_space<hbm>> -> memref<400x64xf32, #tpu.memory_space<hbm>>
        %dma_start3A_434 = arith.constant 0 : i32
        %dma_start3A_435 = arith.constant 0 : i32
        %dma_start3A_436 = tpu.memref_slice %arg12[%rem3A_386, %dma_start3A_434, %dma_start3A_435] : memref<4x400x64xf32, #tpu.memory_space<vmem>> -> memref<1x400x64xf32, #tpu.memory_space<vmem>>
        %dma_start3A_437 = tpu.memref_squeeze %dma_start3A_436 : memref<1x400x64xf32, #tpu.memory_space<vmem>> -> memref<400x64xf32, #tpu.memory_space<vmem>>
        tpu.enqueue_dma source(%dma_start3A_437 : memref<400x64xf32, #tpu.memory_space<vmem>>) target(%dma_start3A_433 : memref<400x64xf32, #tpu.memory_space<hbm>>) target_semaphore(%dma_start3A_431 : memref<!tpu.dma_semaphore, #tpu.memory_space<semaphore_mem>>)
      } else {
      }
      %add3A_411 = arith.constant 4 : i32
      %add3A_412 = arith.addi %scan3A_383, %add3A_411 : i32
      %sub3A_413 = arith.constant 1 : i32
      %sub3A_414 = arith.subi %add3A_412, %sub3A_413 : i32
      %lt3A_415 = arith.constant 16 : i32
      %lt3A_416 = arith.cmpi slt, %sub3A_414, %lt3A_415 : i32
      %convert_element_type3A_417 = arith.extui %lt3A_416 : i1 to i32
      %cond3A_418 = arith.constant 0 : i32
      %cond3A_419 = arith.cmpi ne, %convert_element_type3A_417, %cond3A_418 : i32
      scf.if %cond3A_419 {
        %add3A_421 = arith.constant 4 : i32
        %add3A_422 = arith.addi %scan3A_383, %add3A_421 : i32
        %sub3A_423 = arith.constant 1 : i32
        %sub3A_424 = arith.subi %add3A_422, %sub3A_423 : i32
        %rem3A_425 = arith.constant 4 : i32
        %rem3A_426 = arith.remsi %sub3A_424, %rem3A_425 : i32
        %ge3A = arith.constant 1 : i32
        %ge3A_427 = arith.cmpi sge, %scan3A_383, %ge3A : i32
        %convert_element_type3A_428 = arith.extui %ge3A_427 : i1 to i32
        %cond3A_429 = arith.constant 0 : i32
        %cond3A_430 = arith.cmpi ne, %convert_element_type3A_428, %cond3A_429 : i32
        scf.if %cond3A_430 {
          %sub3A_447 = arith.constant 1 : i32
          %sub3A_448 = arith.subi %scan3A_383, %sub3A_447 : i32
          %mul3A_449 = arith.constant 400 : i32
          %mul3A_450 = arith.muli %sub3A_448, %mul3A_449 : i32
          %add3A_451 = arith.addi %sub3A_130, %mul3A_450 : i32
          %dma_wait3A_452 = arith.constant 0 : i32
          %dma_wait3A_453 = arith.constant 0 : i32
          %dma_wait3A_454 = tpu.memref_slice %arg12[%rem3A_426, %dma_wait3A_452, %dma_wait3A_453] : memref<4x400x64xf32, #tpu.memory_space<vmem>> -> memref<1x400x64xf32, #tpu.memory_space<vmem>>
          %dma_wait3A_455 = tpu.memref_squeeze %dma_wait3A_454 : memref<1x400x64xf32, #tpu.memory_space<vmem>> -> memref<400x64xf32, #tpu.memory_space<vmem>>
          %dma_wait3A_456 = arith.constant 0 : i32
          %dma_wait3A_457 = tpu.memref_slice %arg9[%add3A_451, %dma_wait3A_456] : memref<102400x128xf32, #tpu.memory_space<hbm>> -> memref<400x64xf32, #tpu.memory_space<hbm>>
          %dma_wait3A_458 = tpu.memref_slice %arg14[%rem3A_426] : memref<4x!tpu.dma_semaphore, #tpu.memory_space<semaphore_mem>> -> memref<1x!tpu.dma_semaphore, #tpu.memory_space<semaphore_mem>>
          %dma_wait3A_459 = tpu.memref_squeeze %dma_wait3A_458 : memref<1x!tpu.dma_semaphore, #tpu.memory_space<semaphore_mem>> -> memref<!tpu.dma_semaphore, #tpu.memory_space<semaphore_mem>>
          %dma_wait3A_460 = arith.constant 0 : i32
          %dma_wait3A_461 = tpu.memref_slice %arg9[%add3A_451, %dma_wait3A_460] : memref<102400x128xf32, #tpu.memory_space<hbm>> -> memref<400x64xf32, #tpu.memory_space<hbm>>
          %dma_wait3A_462 = arith.constant 0 : i32
          %dma_wait3A_463 = arith.constant 0 : i32
          %dma_wait3A_464 = tpu.memref_slice %arg12[%rem3A_426, %dma_wait3A_462, %dma_wait3A_463] : memref<4x400x64xf32, #tpu.memory_space<vmem>> -> memref<1x400x64xf32, #tpu.memory_space<vmem>>
          %dma_wait3A_465 = tpu.memref_squeeze %dma_wait3A_464 : memref<1x400x64xf32, #tpu.memory_space<vmem>> -> memref<400x64xf32, #tpu.memory_space<vmem>>
          tpu.wait_dma2 semaphore(%dma_wait3A_459 : memref<!tpu.dma_semaphore, #tpu.memory_space<semaphore_mem>>) src(%dma_wait3A_465 : memref<400x64xf32, #tpu.memory_space<vmem>>) dst(%dma_wait3A_461 : memref<400x64xf32, #tpu.memory_space<hbm>>)
        } else {
        }
        %add3A_431 = arith.constant 4 : i32
        %add3A_432 = arith.addi %scan3A_383, %add3A_431 : i32
        %sub3A_433 = arith.constant 1 : i32
        %sub3A_434 = arith.subi %add3A_432, %sub3A_433 : i32
        %mul3A_435 = arith.constant 400 : i32
        %mul3A_436 = arith.muli %sub3A_434, %mul3A_435 : i32
        %dma_start3A_437 = arith.constant 0 : i32
        %dma_start3A_438 = arith.constant 0 : i32
        %dma_start3A_439 = tpu.memref_slice %arg12[%rem3A_426, %dma_start3A_437, %dma_start3A_438] : memref<4x400x64xf32, #tpu.memory_space<vmem>> -> memref<1x400x64xf32, #tpu.memory_space<vmem>>
        %dma_start3A_440 = tpu.memref_squeeze %dma_start3A_439 : memref<1x400x64xf32, #tpu.memory_space<vmem>> -> memref<400x64xf32, #tpu.memory_space<vmem>>
        %dma_start3A_441 = tpu.memref_slice %arg11[%mul3A_436] : memref<25600xi32, #tpu.memory_space<vmem>> -> memref<400xi32, #tpu.memory_space<vmem>>
        %dma_start3A_442 = arith.constant 0 : i32
        %dma_start3A_443 = arith.constant 0 : i32
        %dma_start3A_444 = tpu.memref_slice %arg6[%dma_start3A_442, %dma_start3A_443] : memref<100000x64xf32, #tpu.memory_space<hbm>> -> memref<100000x64xf32, #tpu.memory_space<hbm>>
        %dma_start3A_445 = tpu.memref_slice %arg13[%rem3A_426] : memref<4x!tpu.dma_semaphore, #tpu.memory_space<semaphore_mem>> -> memref<1x!tpu.dma_semaphore, #tpu.memory_space<semaphore_mem>>
        %dma_start3A_446 = tpu.memref_squeeze %dma_start3A_445 : memref<1x!tpu.dma_semaphore, #tpu.memory_space<semaphore_mem>> -> memref<!tpu.dma_semaphore, #tpu.memory_space<semaphore_mem>>
        tpu.enqueue_indirect_dma source(%dma_start3A_444 : memref<100000x64xf32, #tpu.memory_space<hbm>>) target(%dma_start3A_440 : memref<400x64xf32, #tpu.memory_space<vmem>>) offsets(%dma_start3A_441 : memref<400xi32, #tpu.memory_space<vmem>>) semaphore(%dma_start3A_446 : memref<!tpu.dma_semaphore, #tpu.memory_space<semaphore_mem>>)
      } else {
      }
      %scan3A_420 = arith.constant 0 : i32
      scf.yield %scan3A_420 : i32
    }
    %scan3A_176 = arith.constant 16 : i32
    %rem3A_177 = arith.constant 12 : i32
    %rem3A_178 = arith.constant 4 : i32
    %rem3A_179 = arith.remsi %rem3A_177, %rem3A_178 : i32
    %add3A_180 = arith.constant 4800 : i32
    %add3A_181 = arith.addi %sub3A_130, %add3A_180 : i32
    %dma_wait3A_182 = arith.constant 0 : i32
    %dma_wait3A_183 = arith.constant 0 : i32
    %dma_wait3A_184 = tpu.memref_slice %arg12[%rem3A_179, %dma_wait3A_182, %dma_wait3A_183] : memref<4x400x64xf32, #tpu.memory_space<vmem>> -> memref<1x400x64xf32, #tpu.memory_space<vmem>>
    %dma_wait3A_185 = tpu.memref_squeeze %dma_wait3A_184 : memref<1x400x64xf32, #tpu.memory_space<vmem>> -> memref<400x64xf32, #tpu.memory_space<vmem>>
    %dma_wait3A_186 = arith.constant 0 : i32
    %dma_wait3A_187 = tpu.memref_slice %arg9[%add3A_181, %dma_wait3A_186] : memref<102400x128xf32, #tpu.memory_space<hbm>> -> memref<400x64xf32, #tpu.memory_space<hbm>>
    %dma_wait3A_188 = tpu.memref_slice %arg14[%rem3A_179] : memref<4x!tpu.dma_semaphore, #tpu.memory_space<semaphore_mem>> -> memref<1x!tpu.dma_semaphore, #tpu.memory_space<semaphore_mem>>
    %dma_wait3A_189 = tpu.memref_squeeze %dma_wait3A_188 : memref<1x!tpu.dma_semaphore, #tpu.memory_space<semaphore_mem>> -> memref<!tpu.dma_semaphore, #tpu.memory_space<semaphore_mem>>
    %dma_wait3A_190 = arith.constant 0 : i32
    %dma_wait3A_191 = tpu.memref_slice %arg9[%add3A_181, %dma_wait3A_190] : memref<102400x128xf32, #tpu.memory_space<hbm>> -> memref<400x64xf32, #tpu.memory_space<hbm>>
    %dma_wait3A_192 = arith.constant 0 : i32
    %dma_wait3A_193 = arith.constant 0 : i32
    %dma_wait3A_194 = tpu.memref_slice %arg12[%rem3A_179, %dma_wait3A_192, %dma_wait3A_193] : memref<4x400x64xf32, #tpu.memory_space<vmem>> -> memref<1x400x64xf32, #tpu.memory_space<vmem>>
    %dma_wait3A_195 = tpu.memref_squeeze %dma_wait3A_194 : memref<1x400x64xf32, #tpu.memory_space<vmem>> -> memref<400x64xf32, #tpu.memory_space<vmem>>
    tpu.wait_dma2 semaphore(%dma_wait3A_189 : memref<!tpu.dma_semaphore, #tpu.memory_space<semaphore_mem>>) src(%dma_wait3A_195 : memref<400x64xf32, #tpu.memory_space<vmem>>) dst(%dma_wait3A_191 : memref<400x64xf32, #tpu.memory_space<hbm>>)
    %rem3A_196 = arith.constant 13 : i32
    %rem3A_197 = arith.constant 4 : i32
    %rem3A_198 = arith.remsi %rem3A_196, %rem3A_197 : i32
    %add3A_199 = arith.constant 5200 : i32
    %add3A_200 = arith.addi %sub3A_130, %add3A_199 : i32
    %dma_wait3A_201 = arith.constant 0 : i32
    %dma_wait3A_202 = arith.constant 0 : i32
    %dma_wait3A_203 = tpu.memref_slice %arg12[%rem3A_198, %dma_wait3A_201, %dma_wait3A_202] : memref<4x400x64xf32, #tpu.memory_space<vmem>> -> memref<1x400x64xf32, #tpu.memory_space<vmem>>
    %dma_wait3A_204 = tpu.memref_squeeze %dma_wait3A_203 : memref<1x400x64xf32, #tpu.memory_space<vmem>> -> memref<400x64xf32, #tpu.memory_space<vmem>>
    %dma_wait3A_205 = arith.constant 0 : i32
    %dma_wait3A_206 = tpu.memref_slice %arg9[%add3A_200, %dma_wait3A_205] : memref<102400x128xf32, #tpu.memory_space<hbm>> -> memref<400x64xf32, #tpu.memory_space<hbm>>
    %dma_wait3A_207 = tpu.memref_slice %arg14[%rem3A_198] : memref<4x!tpu.dma_semaphore, #tpu.memory_space<semaphore_mem>> -> memref<1x!tpu.dma_semaphore, #tpu.memory_space<semaphore_mem>>
    %dma_wait3A_208 = tpu.memref_squeeze %dma_wait3A_207 : memref<1x!tpu.dma_semaphore, #tpu.memory_space<semaphore_mem>> -> memref<!tpu.dma_semaphore, #tpu.memory_space<semaphore_mem>>
    %dma_wait3A_209 = arith.constant 0 : i32
    %dma_wait3A_210 = tpu.memref_slice %arg9[%add3A_200, %dma_wait3A_209] : memref<102400x128xf32, #tpu.memory_space<hbm>> -> memref<400x64xf32, #tpu.memory_space<hbm>>
    %dma_wait3A_211 = arith.constant 0 : i32
    %dma_wait3A_212 = arith.constant 0 : i32
    %dma_wait3A_213 = tpu.memref_slice %arg12[%rem3A_198, %dma_wait3A_211, %dma_wait3A_212] : memref<4x400x64xf32, #tpu.memory_space<vmem>> -> memref<1x400x64xf32, #tpu.memory_space<vmem>>
    %dma_wait3A_214 = tpu.memref_squeeze %dma_wait3A_213 : memref<1x400x64xf32, #tpu.memory_space<vmem>> -> memref<400x64xf32, #tpu.memory_space<vmem>>
    tpu.wait_dma2 semaphore(%dma_wait3A_208 : memref<!tpu.dma_semaphore, #tpu.memory_space<semaphore_mem>>) src(%dma_wait3A_214 : memref<400x64xf32, #tpu.memory_space<vmem>>) dst(%dma_wait3A_210 : memref<400x64xf32, #tpu.memory_space<hbm>>)
    %rem3A_215 = arith.constant 14 : i32
    %rem3A_216 = arith.constant 4 : i32
    %rem3A_217 = arith.remsi %rem3A_215, %rem3A_216 : i32
    %add3A_218 = arith.constant 5600 : i32
    %add3A_219 = arith.addi %sub3A_130, %add3A_218 : i32
    %dma_wait3A_220 = arith.constant 0 : i32
    %dma_wait3A_221 = arith.constant 0 : i32
    %dma_wait3A_222 = tpu.memref_slice %arg12[%rem3A_217, %dma_wait3A_220, %dma_wait3A_221] : memref<4x400x64xf32, #tpu.memory_space<vmem>> -> memref<1x400x64xf32, #tpu.memory_space<vmem>>
    %dma_wait3A_223 = tpu.memref_squeeze %dma_wait3A_222 : memref<1x400x64xf32, #tpu.memory_space<vmem>> -> memref<400x64xf32, #tpu.memory_space<vmem>>
    %dma_wait3A_224 = arith.constant 0 : i32
    %dma_wait3A_225 = tpu.memref_slice %arg9[%add3A_219, %dma_wait3A_224] : memref<102400x128xf32, #tpu.memory_space<hbm>> -> memref<400x64xf32, #tpu.memory_space<hbm>>
    %dma_wait3A_226 = tpu.memref_slice %arg14[%rem3A_217] : memref<4x!tpu.dma_semaphore, #tpu.memory_space<semaphore_mem>> -> memref<1x!tpu.dma_semaphore, #tpu.memory_space<semaphore_mem>>
    %dma_wait3A_227 = tpu.memref_squeeze %dma_wait3A_226 : memref<1x!tpu.dma_semaphore, #tpu.memory_space<semaphore_mem>> -> memref<!tpu.dma_semaphore, #tpu.memory_space<semaphore_mem>>
    %dma_wait3A_228 = arith.constant 0 : i32
    %dma_wait3A_229 = tpu.memref_slice %arg9[%add3A_219, %dma_wait3A_228] : memref<102400x128xf32, #tpu.memory_space<hbm>> -> memref<400x64xf32, #tpu.memory_space<hbm>>
    %dma_wait3A_230 = arith.constant 0 : i32
    %dma_wait3A_231 = arith.constant 0 : i32
    %dma_wait3A_232 = tpu.memref_slice %arg12[%rem3A_217, %dma_wait3A_230, %dma_wait3A_231] : memref<4x400x64xf32, #tpu.memory_space<vmem>> -> memref<1x400x64xf32, #tpu.memory_space<vmem>>
    %dma_wait3A_233 = tpu.memref_squeeze %dma_wait3A_232 : memref<1x400x64xf32, #tpu.memory_space<vmem>> -> memref<400x64xf32, #tpu.memory_space<vmem>>
    tpu.wait_dma2 semaphore(%dma_wait3A_227 : memref<!tpu.dma_semaphore, #tpu.memory_space<semaphore_mem>>) src(%dma_wait3A_233 : memref<400x64xf32, #tpu.memory_space<vmem>>) dst(%dma_wait3A_229 : memref<400x64xf32, #tpu.memory_space<hbm>>)
    %rem3A_234 = arith.constant 15 : i32
    %rem3A_235 = arith.constant 4 : i32
    %rem3A_236 = arith.remsi %rem3A_234, %rem3A_235 : i32
    %add3A_237 = arith.constant 6000 : i32
    %add3A_238 = arith.addi %sub3A_130, %add3A_237 : i32
    %dma_wait3A_239 = arith.constant 0 : i32
    %dma_wait3A_240 = arith.constant 0 : i32
    %dma_wait3A_241 = tpu.memref_slice %arg12[%rem3A_236, %dma_wait3A_239, %dma_wait3A_240] : memref<4x400x64xf32, #tpu.memory_space<vmem>> -> memref<1x400x64xf32, #tpu.memory_space<vmem>>
    %dma_wait3A_242 = tpu.memref_squeeze %dma_wait3A_241 : memref<1x400x64xf32, #tpu.memory_space<vmem>> -> memref<400x64xf32, #tpu.memory_space<vmem>>
    %dma_wait3A_243 = arith.constant 0 : i32
    %dma_wait3A_244 = tpu.memref_slice %arg9[%add3A_238, %dma_wait3A_243] : memref<102400x128xf32, #tpu.memory_space<hbm>> -> memref<400x64xf32, #tpu.memory_space<hbm>>
    %dma_wait3A_245 = tpu.memref_slice %arg14[%rem3A_236] : memref<4x!tpu.dma_semaphore, #tpu.memory_space<semaphore_mem>> -> memref<1x!tpu.dma_semaphore, #tpu.memory_space<semaphore_mem>>
    %dma_wait3A_246 = tpu.memref_squeeze %dma_wait3A_245 : memref<1x!tpu.dma_semaphore, #tpu.memory_space<semaphore_mem>> -> memref<!tpu.dma_semaphore, #tpu.memory_space<semaphore_mem>>
    %dma_wait3A_247 = arith.constant 0 : i32
    %dma_wait3A_248 = tpu.memref_slice %arg9[%add3A_238, %dma_wait3A_247] : memref<102400x128xf32, #tpu.memory_space<hbm>> -> memref<400x64xf32, #tpu.memory_space<hbm>>
    %dma_wait3A_249 = arith.constant 0 : i32
    %dma_wait3A_250 = arith.constant 0 : i32
    %dma_wait3A_251 = tpu.memref_slice %arg12[%rem3A_236, %dma_wait3A_249, %dma_wait3A_250] : memref<4x400x64xf32, #tpu.memory_space<vmem>> -> memref<1x400x64xf32, #tpu.memory_space<vmem>>
    %dma_wait3A_252 = tpu.memref_squeeze %dma_wait3A_251 : memref<1x400x64xf32, #tpu.memory_space<vmem>> -> memref<400x64xf32, #tpu.memory_space<vmem>>
    tpu.wait_dma2 semaphore(%dma_wait3A_246 : memref<!tpu.dma_semaphore, #tpu.memory_space<semaphore_mem>>) src(%dma_wait3A_252 : memref<400x64xf32, #tpu.memory_space<vmem>>) dst(%dma_wait3A_248 : memref<400x64xf32, #tpu.memory_space<hbm>>)
    %mul3A_253 = arith.constant 6400 : i32
    %mul3A_254 = arith.muli %add3A, %mul3A_253 : i32
    %lt3A_255 = arith.constant 16 : i32
    %lt3A_256 = arith.cmpi slt, %add3A, %lt3A_255 : i32
    %jit3A_257 = arith.constant 0 : i32
    %jit3A_258 = arith.constant 102400 : i32
    %select_n3A_259 = arith.select %lt3A_256, %jit3A_257, %jit3A_258 : i32
    %sub3A_260 = arith.subi %mul3A_254, %select_n3A_259 : i32
    "tpu.region"() ({
      %run_scoped3A = tpu.sem_alloc : memref<!tpu.dma_semaphore, #tpu.memory_space<semaphore_mem>>
      %dma_start3A_383 = arith.constant 0 : i32
      %dma_start3A_384 = tpu.memref_slice %arg11[%dma_start3A_383] : memref<25600xi32, #tpu.memory_space<vmem>> -> memref<6400xi32, #tpu.memory_space<vmem>>
      %dma_start3A_385 = tpu.memref_slice %arg4[%mul3A_254] : memref<204800xi32, #tpu.memory_space<hbm>> -> memref<6400xi32, #tpu.memory_space<hbm>>
      %dma_start3A_386 = arith.constant 0 : i32
      %dma_start3A_387 = tpu.memref_slice %arg11[%dma_start3A_386] : memref<25600xi32, #tpu.memory_space<vmem>> -> memref<6400xi32, #tpu.memory_space<vmem>>
      %dma_start3A_388 = tpu.memref_slice %arg4[%mul3A_254] : memref<204800xi32, #tpu.memory_space<hbm>> -> memref<6400xi32, #tpu.memory_space<hbm>>
      tpu.enqueue_dma source(%dma_start3A_388 : memref<6400xi32, #tpu.memory_space<hbm>>) target(%dma_start3A_387 : memref<6400xi32, #tpu.memory_space<vmem>>) target_semaphore(%run_scoped3A : memref<!tpu.dma_semaphore, #tpu.memory_space<semaphore_mem>>)
      %dma_wait3A_389 = arith.constant 0 : i32
      %dma_wait3A_390 = tpu.memref_slice %arg11[%dma_wait3A_389] : memref<25600xi32, #tpu.memory_space<vmem>> -> memref<6400xi32, #tpu.memory_space<vmem>>
      %dma_wait3A_391 = tpu.memref_slice %arg4[%mul3A_254] : memref<204800xi32, #tpu.memory_space<hbm>> -> memref<6400xi32, #tpu.memory_space<hbm>>
      %dma_wait3A_392 = arith.constant 0 : i32
      %dma_wait3A_393 = tpu.memref_slice %arg11[%dma_wait3A_392] : memref<25600xi32, #tpu.memory_space<vmem>> -> memref<6400xi32, #tpu.memory_space<vmem>>
      %dma_wait3A_394 = tpu.memref_slice %arg4[%mul3A_254] : memref<204800xi32, #tpu.memory_space<hbm>> -> memref<6400xi32, #tpu.memory_space<hbm>>
      tpu.wait_dma2 semaphore(%run_scoped3A : memref<!tpu.dma_semaphore, #tpu.memory_space<semaphore_mem>>) src(%dma_wait3A_394 : memref<6400xi32, #tpu.memory_space<hbm>>) dst(%dma_wait3A_393 : memref<6400xi32, #tpu.memory_space<vmem>>)
      tpu.yield
    }) : () -> ()
    %dma_start3A_261 = arith.constant 0 : i32
    %dma_start3A_262 = arith.constant 0 : i32
    %dma_start3A_263 = arith.constant 0 : i32
    %dma_start3A_264 = arith.constant 0 : i32
    %dma_start3A_265 = tpu.memref_slice %arg12[%dma_start3A_261, %dma_start3A_263, %dma_start3A_264] : memref<4x400x64xf32, #tpu.memory_space<vmem>> -> memref<1x400x64xf32, #tpu.memory_space<vmem>>
    %dma_start3A_266 = tpu.memref_squeeze %dma_start3A_265 : memref<1x400x64xf32, #tpu.memory_space<vmem>> -> memref<400x64xf32, #tpu.memory_space<vmem>>
    %dma_start3A_267 = arith.constant 0 : i32
    %dma_start3A_268 = tpu.memref_slice %arg11[%dma_start3A_267] : memref<25600xi32, #tpu.memory_space<vmem>> -> memref<400xi32, #tpu.memory_space<vmem>>
    %dma_start3A_269 = arith.constant 0 : i32
    %dma_start3A_270 = arith.constant 0 : i32
    %dma_start3A_271 = tpu.memref_slice %arg7[%dma_start3A_269, %dma_start3A_270] : memref<1000000x64xf32, #tpu.memory_space<hbm>> -> memref<1000000x64xf32, #tpu.memory_space<hbm>>
    %dma_start3A_272 = tpu.memref_slice %arg13[%dma_start3A_262] : memref<4x!tpu.dma_semaphore, #tpu.memory_space<semaphore_mem>> -> memref<1x!tpu.dma_semaphore, #tpu.memory_space<semaphore_mem>>
    %dma_start3A_273 = tpu.memref_squeeze %dma_start3A_272 : memref<1x!tpu.dma_semaphore, #tpu.memory_space<semaphore_mem>> -> memref<!tpu.dma_semaphore, #tpu.memory_space<semaphore_mem>>
    tpu.enqueue_indirect_dma source(%dma_start3A_271 : memref<1000000x64xf32, #tpu.memory_space<hbm>>) target(%dma_start3A_266 : memref<400x64xf32, #tpu.memory_space<vmem>>) offsets(%dma_start3A_268 : memref<400xi32, #tpu.memory_space<vmem>>) semaphore(%dma_start3A_273 : memref<!tpu.dma_semaphore, #tpu.memory_space<semaphore_mem>>)
    %dma_start3A_274 = arith.constant 1 : i32
    %dma_start3A_275 = arith.constant 1 : i32
    %dma_start3A_276 = arith.constant 0 : i32
    %dma_start3A_277 = arith.constant 0 : i32
    %dma_start3A_278 = tpu.memref_slice %arg12[%dma_start3A_274, %dma_start3A_276, %dma_start3A_277] : memref<4x400x64xf32, #tpu.memory_space<vmem>> -> memref<1x400x64xf32, #tpu.memory_space<vmem>>
    %dma_start3A_279 = tpu.memref_squeeze %dma_start3A_278 : memref<1x400x64xf32, #tpu.memory_space<vmem>> -> memref<400x64xf32, #tpu.memory_space<vmem>>
    %dma_start3A_280 = arith.constant 400 : i32
    %dma_start3A_281 = tpu.memref_slice %arg11[%dma_start3A_280] : memref<25600xi32, #tpu.memory_space<vmem>> -> memref<400xi32, #tpu.memory_space<vmem>>
    %dma_start3A_282 = arith.constant 0 : i32
    %dma_start3A_283 = arith.constant 0 : i32
    %dma_start3A_284 = tpu.memref_slice %arg7[%dma_start3A_282, %dma_start3A_283] : memref<1000000x64xf32, #tpu.memory_space<hbm>> -> memref<1000000x64xf32, #tpu.memory_space<hbm>>
    %dma_start3A_285 = tpu.memref_slice %arg13[%dma_start3A_275] : memref<4x!tpu.dma_semaphore, #tpu.memory_space<semaphore_mem>> -> memref<1x!tpu.dma_semaphore, #tpu.memory_space<semaphore_mem>>
    %dma_start3A_286 = tpu.memref_squeeze %dma_start3A_285 : memref<1x!tpu.dma_semaphore, #tpu.memory_space<semaphore_mem>> -> memref<!tpu.dma_semaphore, #tpu.memory_space<semaphore_mem>>
    tpu.enqueue_indirect_dma source(%dma_start3A_284 : memref<1000000x64xf32, #tpu.memory_space<hbm>>) target(%dma_start3A_279 : memref<400x64xf32, #tpu.memory_space<vmem>>) offsets(%dma_start3A_281 : memref<400xi32, #tpu.memory_space<vmem>>) semaphore(%dma_start3A_286 : memref<!tpu.dma_semaphore, #tpu.memory_space<semaphore_mem>>)
    %dma_start3A_287 = arith.constant 2 : i32
    %dma_start3A_288 = arith.constant 2 : i32
    %dma_start3A_289 = arith.constant 0 : i32
    %dma_start3A_290 = arith.constant 0 : i32
    %dma_start3A_291 = tpu.memref_slice %arg12[%dma_start3A_287, %dma_start3A_289, %dma_start3A_290] : memref<4x400x64xf32, #tpu.memory_space<vmem>> -> memref<1x400x64xf32, #tpu.memory_space<vmem>>
    %dma_start3A_292 = tpu.memref_squeeze %dma_start3A_291 : memref<1x400x64xf32, #tpu.memory_space<vmem>> -> memref<400x64xf32, #tpu.memory_space<vmem>>
    %dma_start3A_293 = arith.constant 800 : i32
    %dma_start3A_294 = tpu.memref_slice %arg11[%dma_start3A_293] : memref<25600xi32, #tpu.memory_space<vmem>> -> memref<400xi32, #tpu.memory_space<vmem>>
    %dma_start3A_295 = arith.constant 0 : i32
    %dma_start3A_296 = arith.constant 0 : i32
    %dma_start3A_297 = tpu.memref_slice %arg7[%dma_start3A_295, %dma_start3A_296] : memref<1000000x64xf32, #tpu.memory_space<hbm>> -> memref<1000000x64xf32, #tpu.memory_space<hbm>>
    %dma_start3A_298 = tpu.memref_slice %arg13[%dma_start3A_288] : memref<4x!tpu.dma_semaphore, #tpu.memory_space<semaphore_mem>> -> memref<1x!tpu.dma_semaphore, #tpu.memory_space<semaphore_mem>>
    %dma_start3A_299 = tpu.memref_squeeze %dma_start3A_298 : memref<1x!tpu.dma_semaphore, #tpu.memory_space<semaphore_mem>> -> memref<!tpu.dma_semaphore, #tpu.memory_space<semaphore_mem>>
    tpu.enqueue_indirect_dma source(%dma_start3A_297 : memref<1000000x64xf32, #tpu.memory_space<hbm>>) target(%dma_start3A_292 : memref<400x64xf32, #tpu.memory_space<vmem>>) offsets(%dma_start3A_294 : memref<400xi32, #tpu.memory_space<vmem>>) semaphore(%dma_start3A_299 : memref<!tpu.dma_semaphore, #tpu.memory_space<semaphore_mem>>)
    %scan3A_300 = arith.constant 0 : i32
    %scan3A_301 = arith.constant 0 : i32
    %scan3A_302 = arith.constant 16 : i32
    %scan3A_303 = arith.addi %scan3A_301, %scan3A_302 : i32
    %scan3A_304 = arith.constant 1 : i32
    %scan3A_305 = scf.for %scan3A_383 = %scan3A_301 to %scan3A_303 step %scan3A_304 iter_args(%scan3A_384 = %scan3A_300) -> (i32)  : i32 {
      %rem3A_385 = arith.constant 4 : i32
      %rem3A_386 = arith.remsi %scan3A_383, %rem3A_385 : i32
      %mul3A_387 = arith.constant 400 : i32
      %mul3A_388 = arith.muli %scan3A_383, %mul3A_387 : i32
      %dma_wait3A_389 = arith.constant 0 : i32
      %dma_wait3A_390 = arith.constant 0 : i32
      %dma_wait3A_391 = tpu.memref_slice %arg12[%rem3A_386, %dma_wait3A_389, %dma_wait3A_390] : memref<4x400x64xf32, #tpu.memory_space<vmem>> -> memref<1x400x64xf32, #tpu.memory_space<vmem>>
      %dma_wait3A_392 = tpu.memref_squeeze %dma_wait3A_391 : memref<1x400x64xf32, #tpu.memory_space<vmem>> -> memref<400x64xf32, #tpu.memory_space<vmem>>
      %dma_wait3A_393 = tpu.memref_slice %arg11[%mul3A_388] : memref<25600xi32, #tpu.memory_space<vmem>> -> memref<400xi32, #tpu.memory_space<vmem>>
      %dma_wait3A_394 = arith.constant 0 : i32
      %dma_wait3A_395 = arith.constant 0 : i32
      %dma_wait3A_396 = tpu.memref_slice %arg7[%dma_wait3A_394, %dma_wait3A_395] : memref<1000000x64xf32, #tpu.memory_space<hbm>> -> memref<1000000x64xf32, #tpu.memory_space<hbm>>
      %dma_wait3A_397 = tpu.memref_slice %arg13[%rem3A_386] : memref<4x!tpu.dma_semaphore, #tpu.memory_space<semaphore_mem>> -> memref<1x!tpu.dma_semaphore, #tpu.memory_space<semaphore_mem>>
      %dma_wait3A_398 = tpu.memref_squeeze %dma_wait3A_397 : memref<1x!tpu.dma_semaphore, #tpu.memory_space<semaphore_mem>> -> memref<!tpu.dma_semaphore, #tpu.memory_space<semaphore_mem>>
      tpu.wait_indirect_dma semaphore(%dma_wait3A_398 : memref<!tpu.dma_semaphore, #tpu.memory_space<semaphore_mem>>) src(%dma_wait3A_396 : memref<1000000x64xf32, #tpu.memory_space<hbm>>) dst(%dma_wait3A_392 : memref<400x64xf32, #tpu.memory_space<vmem>>)
      %scan3A_399 = arith.constant 0 : i32
      %scan3A_400 = arith.constant 0 : i32
      %scan3A_401 = arith.constant 400 : i32
      %scan3A_402 = arith.addi %scan3A_400, %scan3A_401 : i32
      %scan3A_403 = arith.constant 2 : i32
      %scan3A_404 = scf.for %scan3A_421 = %scan3A_400 to %scan3A_402 step %scan3A_403 iter_args(%scan3A_422 = %scan3A_399) -> (i32)  : i32 {
        %get3A = arith.index_cast %rem3A_386 : i32 to index
        %get3A_423 = arith.index_cast %scan3A_421 : i32 to index
        %get3A_424 = arith.constant 0 : index
        %get3A_425 = tpu.vector_load %arg12[%get3A, %get3A_423, %get3A_424] {strides = array<i32>} : memref<4x400x64xf32, #tpu.memory_space<vmem>>, vector<1x1x16xf32>,
        %get3A_426 = vector.shape_cast %get3A_425 : vector<1x1x16xf32> to vector<16xf32>
        %max3A = arith.constant 0.000000e+00 : f32
        %max3A_427 = vector.broadcast %max3A : f32 to vector<16xf32>
        %max3A_428 = arith.maximumf %get3A_426, %max3A_427 : vector<16xf32>
        %swap3A = arith.index_cast %rem3A_386 : i32 to index
        %swap3A_429 = arith.index_cast %scan3A_421 : i32 to index
        %swap3A_430 = arith.constant 0 : index
        %swap3A_431 = tpu.vector_load %arg12[%swap3A, %swap3A_429, %swap3A_430] {strides = array<i32>} : memref<4x400x64xf32, #tpu.memory_space<vmem>>, vector<1x1x16xf32>,
        %swap3A_432 = vector.shape_cast %swap3A_431 : vector<1x1x16xf32> to vector<16xf32>
        %swap3A_433 = vector.shape_cast %max3A_428 : vector<16xf32> to vector<1x1x16xf32>
        tpu.vector_store %arg12[%swap3A, %swap3A_429, %swap3A_430], %swap3A_433 {strides = array<i32>} : memref<4x400x64xf32, #tpu.memory_space<vmem>>, vector<1x1x16xf32>,
        %get3A_434 = arith.index_cast %rem3A_386 : i32 to index
        %get3A_435 = arith.index_cast %scan3A_421 : i32 to index
        %get3A_436 = arith.constant 16 : index
        %get3A_437 = tpu.vector_load %arg12[%get3A_434, %get3A_435, %get3A_436] {strides = array<i32>} : memref<4x400x64xf32, #tpu.memory_space<vmem>>, vector<1x1x16xf32>,
        %get3A_438 = vector.shape_cast %get3A_437 : vector<1x1x16xf32> to vector<16xf32>
        %max3A_439 = arith.constant 0.000000e+00 : f32
        %max3A_440 = vector.broadcast %max3A_439 : f32 to vector<16xf32>
        %max3A_441 = arith.maximumf %get3A_438, %max3A_440 : vector<16xf32>
        %swap3A_442 = arith.index_cast %rem3A_386 : i32 to index
        %swap3A_443 = arith.index_cast %scan3A_421 : i32 to index
        %swap3A_444 = arith.constant 16 : index
        %swap3A_445 = tpu.vector_load %arg12[%swap3A_442, %swap3A_443, %swap3A_444] {strides = array<i32>} : memref<4x400x64xf32, #tpu.memory_space<vmem>>, vector<1x1x16xf32>,
        %swap3A_446 = vector.shape_cast %swap3A_445 : vector<1x1x16xf32> to vector<16xf32>
        %swap3A_447 = vector.shape_cast %max3A_441 : vector<16xf32> to vector<1x1x16xf32>
        tpu.vector_store %arg12[%swap3A_442, %swap3A_443, %swap3A_444], %swap3A_447 {strides = array<i32>} : memref<4x400x64xf32, #tpu.memory_space<vmem>>, vector<1x1x16xf32>,
        %get3A_448 = arith.index_cast %rem3A_386 : i32 to index
        %get3A_449 = arith.index_cast %scan3A_421 : i32 to index
        %get3A_450 = arith.constant 32 : index
        %get3A_451 = tpu.vector_load %arg12[%get3A_448, %get3A_449, %get3A_450] {strides = array<i32>} : memref<4x400x64xf32, #tpu.memory_space<vmem>>, vector<1x1x16xf32>,
        %get3A_452 = vector.shape_cast %get3A_451 : vector<1x1x16xf32> to vector<16xf32>
        %max3A_453 = arith.constant 0.000000e+00 : f32
        %max3A_454 = vector.broadcast %max3A_453 : f32 to vector<16xf32>
        %max3A_455 = arith.maximumf %get3A_452, %max3A_454 : vector<16xf32>
        %swap3A_456 = arith.index_cast %rem3A_386 : i32 to index
        %swap3A_457 = arith.index_cast %scan3A_421 : i32 to index
        %swap3A_458 = arith.constant 32 : index
        %swap3A_459 = tpu.vector_load %arg12[%swap3A_456, %swap3A_457, %swap3A_458] {strides = array<i32>} : memref<4x400x64xf32, #tpu.memory_space<vmem>>, vector<1x1x16xf32>,
        %swap3A_460 = vector.shape_cast %swap3A_459 : vector<1x1x16xf32> to vector<16xf32>
        %swap3A_461 = vector.shape_cast %max3A_455 : vector<16xf32> to vector<1x1x16xf32>
        tpu.vector_store %arg12[%swap3A_456, %swap3A_457, %swap3A_458], %swap3A_461 {strides = array<i32>} : memref<4x400x64xf32, #tpu.memory_space<vmem>>, vector<1x1x16xf32>,
        %get3A_462 = arith.index_cast %rem3A_386 : i32 to index
        %get3A_463 = arith.index_cast %scan3A_421 : i32 to index
        %get3A_464 = arith.constant 48 : index
        %get3A_465 = tpu.vector_load %arg12[%get3A_462, %get3A_463, %get3A_464] {strides = array<i32>} : memref<4x400x64xf32, #tpu.memory_space<vmem>>, vector<1x1x16xf32>,
        %get3A_466 = vector.shape_cast %get3A_465 : vector<1x1x16xf32> to vector<16xf32>
        %max3A_467 = arith.constant 0.000000e+00 : f32
        %max3A_468 = vector.broadcast %max3A_467 : f32 to vector<16xf32>
        %max3A_469 = arith.maximumf %get3A_466, %max3A_468 : vector<16xf32>
        %swap3A_470 = arith.index_cast %rem3A_386 : i32 to index
        %swap3A_471 = arith.index_cast %scan3A_421 : i32 to index
        %swap3A_472 = arith.constant 48 : index
        %swap3A_473 = tpu.vector_load %arg12[%swap3A_470, %swap3A_471, %swap3A_472] {strides = array<i32>} : memref<4x400x64xf32, #tpu.memory_space<vmem>>, vector<1x1x16xf32>,
        %swap3A_474 = vector.shape_cast %swap3A_473 : vector<1x1x16xf32> to vector<16xf32>
        %swap3A_475 = vector.shape_cast %max3A_469 : vector<16xf32> to vector<1x1x16xf32>
        tpu.vector_store %arg12[%swap3A_470, %swap3A_471, %swap3A_472], %swap3A_475 {strides = array<i32>} : memref<4x400x64xf32, #tpu.memory_space<vmem>>, vector<1x1x16xf32>,
        %scan3A_476 = arith.constant 0 : i32
        %scan3A_477 = arith.constant 1 : i32
        %scan3A_478 = arith.addi %scan3A_421, %scan3A_477 : i32
        %get3A_479 = arith.index_cast %rem3A_386 : i32 to index
        %get3A_480 = arith.index_cast %scan3A_478 : i32 to index
        %get3A_481 = arith.constant 0 : index
        %get3A_482 = tpu.vector_load %arg12[%get3A_479, %get3A_480, %get3A_481] {strides = array<i32>} : memref<4x400x64xf32, #tpu.memory_space<vmem>>, vector<1x1x16xf32>,
        %get3A_483 = vector.shape_cast %get3A_482 : vector<1x1x16xf32> to vector<16xf32>
        %max3A_484 = arith.constant 0.000000e+00 : f32
        %max3A_485 = vector.broadcast %max3A_484 : f32 to vector<16xf32>
        %max3A_486 = arith.maximumf %get3A_483, %max3A_485 : vector<16xf32>
        %swap3A_487 = arith.index_cast %rem3A_386 : i32 to index
        %swap3A_488 = arith.index_cast %scan3A_478 : i32 to index
        %swap3A_489 = arith.constant 0 : index
        %swap3A_490 = tpu.vector_load %arg12[%swap3A_487, %swap3A_488, %swap3A_489] {strides = array<i32>} : memref<4x400x64xf32, #tpu.memory_space<vmem>>, vector<1x1x16xf32>,
        %swap3A_491 = vector.shape_cast %swap3A_490 : vector<1x1x16xf32> to vector<16xf32>
        %swap3A_492 = vector.shape_cast %max3A_486 : vector<16xf32> to vector<1x1x16xf32>
        tpu.vector_store %arg12[%swap3A_487, %swap3A_488, %swap3A_489], %swap3A_492 {strides = array<i32>} : memref<4x400x64xf32, #tpu.memory_space<vmem>>, vector<1x1x16xf32>,
        %get3A_493 = arith.index_cast %rem3A_386 : i32 to index
        %get3A_494 = arith.index_cast %scan3A_478 : i32 to index
        %get3A_495 = arith.constant 16 : index
        %get3A_496 = tpu.vector_load %arg12[%get3A_493, %get3A_494, %get3A_495] {strides = array<i32>} : memref<4x400x64xf32, #tpu.memory_space<vmem>>, vector<1x1x16xf32>,
        %get3A_497 = vector.shape_cast %get3A_496 : vector<1x1x16xf32> to vector<16xf32>
        %max3A_498 = arith.constant 0.000000e+00 : f32
        %max3A_499 = vector.broadcast %max3A_498 : f32 to vector<16xf32>
        %max3A_500 = arith.maximumf %get3A_497, %max3A_499 : vector<16xf32>
        %swap3A_501 = arith.index_cast %rem3A_386 : i32 to index
        %swap3A_502 = arith.index_cast %scan3A_478 : i32 to index
        %swap3A_503 = arith.constant 16 : index
        %swap3A_504 = tpu.vector_load %arg12[%swap3A_501, %swap3A_502, %swap3A_503] {strides = array<i32>} : memref<4x400x64xf32, #tpu.memory_space<vmem>>, vector<1x1x16xf32>,
        %swap3A_505 = vector.shape_cast %swap3A_504 : vector<1x1x16xf32> to vector<16xf32>
        %swap3A_506 = vector.shape_cast %max3A_500 : vector<16xf32> to vector<1x1x16xf32>
        tpu.vector_store %arg12[%swap3A_501, %swap3A_502, %swap3A_503], %swap3A_506 {strides = array<i32>} : memref<4x400x64xf32, #tpu.memory_space<vmem>>, vector<1x1x16xf32>,
        %get3A_507 = arith.index_cast %rem3A_386 : i32 to index
        %get3A_508 = arith.index_cast %scan3A_478 : i32 to index
        %get3A_509 = arith.constant 32 : index
        %get3A_510 = tpu.vector_load %arg12[%get3A_507, %get3A_508, %get3A_509] {strides = array<i32>} : memref<4x400x64xf32, #tpu.memory_space<vmem>>, vector<1x1x16xf32>,
        %get3A_511 = vector.shape_cast %get3A_510 : vector<1x1x16xf32> to vector<16xf32>
        %max3A_512 = arith.constant 0.000000e+00 : f32
        %max3A_513 = vector.broadcast %max3A_512 : f32 to vector<16xf32>
        %max3A_514 = arith.maximumf %get3A_511, %max3A_513 : vector<16xf32>
        %swap3A_515 = arith.index_cast %rem3A_386 : i32 to index
        %swap3A_516 = arith.index_cast %scan3A_478 : i32 to index
        %swap3A_517 = arith.constant 32 : index
        %swap3A_518 = tpu.vector_load %arg12[%swap3A_515, %swap3A_516, %swap3A_517] {strides = array<i32>} : memref<4x400x64xf32, #tpu.memory_space<vmem>>, vector<1x1x16xf32>,
        %swap3A_519 = vector.shape_cast %swap3A_518 : vector<1x1x16xf32> to vector<16xf32>
        %swap3A_520 = vector.shape_cast %max3A_514 : vector<16xf32> to vector<1x1x16xf32>
        tpu.vector_store %arg12[%swap3A_515, %swap3A_516, %swap3A_517], %swap3A_520 {strides = array<i32>} : memref<4x400x64xf32, #tpu.memory_space<vmem>>, vector<1x1x16xf32>,
        %get3A_521 = arith.index_cast %rem3A_386 : i32 to index
        %get3A_522 = arith.index_cast %scan3A_478 : i32 to index
        %get3A_523 = arith.constant 48 : index
        %get3A_524 = tpu.vector_load %arg12[%get3A_521, %get3A_522, %get3A_523] {strides = array<i32>} : memref<4x400x64xf32, #tpu.memory_space<vmem>>, vector<1x1x16xf32>,
        %get3A_525 = vector.shape_cast %get3A_524 : vector<1x1x16xf32> to vector<16xf32>
        %max3A_526 = arith.constant 0.000000e+00 : f32
        %max3A_527 = vector.broadcast %max3A_526 : f32 to vector<16xf32>
        %max3A_528 = arith.maximumf %get3A_525, %max3A_527 : vector<16xf32>
        %swap3A_529 = arith.index_cast %rem3A_386 : i32 to index
        %swap3A_530 = arith.index_cast %scan3A_478 : i32 to index
        %swap3A_531 = arith.constant 48 : index
        %swap3A_532 = tpu.vector_load %arg12[%swap3A_529, %swap3A_530, %swap3A_531] {strides = array<i32>} : memref<4x400x64xf32, #tpu.memory_space<vmem>>, vector<1x1x16xf32>,
        %swap3A_533 = vector.shape_cast %swap3A_532 : vector<1x1x16xf32> to vector<16xf32>
        %swap3A_534 = vector.shape_cast %max3A_528 : vector<16xf32> to vector<1x1x16xf32>
        tpu.vector_store %arg12[%swap3A_529, %swap3A_530, %swap3A_531], %swap3A_534 {strides = array<i32>} : memref<4x400x64xf32, #tpu.memory_space<vmem>>, vector<1x1x16xf32>,
        %scan3A_535 = arith.constant 0 : i32
        scf.yield %scan3A_535 : i32
      }
      %scan3A_405 = arith.constant 400 : i32
      %convert_element_type3A = arith.extui %lt3A_256 : i1 to i32
      %cond3A = arith.constant 0 : i32
      %cond3A_406 = arith.cmpi ne, %convert_element_type3A, %cond3A : i32
      scf.if %cond3A_406 {
        %mul3A_421 = arith.constant 400 : i32
        %mul3A_422 = arith.muli %scan3A_383, %mul3A_421 : i32
        %add3A_423 = arith.addi %sub3A_260, %mul3A_422 : i32
        %dma_start3A_424 = arith.constant 0 : i32
        %dma_start3A_425 = arith.constant 0 : i32
        %dma_start3A_426 = tpu.memref_slice %arg12[%rem3A_386, %dma_start3A_424, %dma_start3A_425] : memref<4x400x64xf32, #tpu.memory_space<vmem>> -> memref<1x400x64xf32, #tpu.memory_space<vmem>>
        %dma_start3A_427 = tpu.memref_squeeze %dma_start3A_426 : memref<1x400x64xf32, #tpu.memory_space<vmem>> -> memref<400x64xf32, #tpu.memory_space<vmem>>
        %dma_start3A_428 = arith.constant 0 : i32
        %dma_start3A_429 = tpu.memref_slice %arg10[%add3A_423, %dma_start3A_428] : memref<102400x128xf32, #tpu.memory_space<hbm>> -> memref<400x64xf32, #tpu.memory_space<hbm>>
        %dma_start3A_430 = tpu.memref_slice %arg14[%rem3A_386] : memref<4x!tpu.dma_semaphore, #tpu.memory_space<semaphore_mem>> -> memref<1x!tpu.dma_semaphore, #tpu.memory_space<semaphore_mem>>
        %dma_start3A_431 = tpu.memref_squeeze %dma_start3A_430 : memref<1x!tpu.dma_semaphore, #tpu.memory_space<semaphore_mem>> -> memref<!tpu.dma_semaphore, #tpu.memory_space<semaphore_mem>>
        %dma_start3A_432 = arith.constant 0 : i32
        %dma_start3A_433 = tpu.memref_slice %arg10[%add3A_423, %dma_start3A_432] : memref<102400x128xf32, #tpu.memory_space<hbm>> -> memref<400x64xf32, #tpu.memory_space<hbm>>
        %dma_start3A_434 = arith.constant 0 : i32
        %dma_start3A_435 = arith.constant 0 : i32
        %dma_start3A_436 = tpu.memref_slice %arg12[%rem3A_386, %dma_start3A_434, %dma_start3A_435] : memref<4x400x64xf32, #tpu.memory_space<vmem>> -> memref<1x400x64xf32, #tpu.memory_space<vmem>>
        %dma_start3A_437 = tpu.memref_squeeze %dma_start3A_436 : memref<1x400x64xf32, #tpu.memory_space<vmem>> -> memref<400x64xf32, #tpu.memory_space<vmem>>
        tpu.enqueue_dma source(%dma_start3A_437 : memref<400x64xf32, #tpu.memory_space<vmem>>) target(%dma_start3A_433 : memref<400x64xf32, #tpu.memory_space<hbm>>) target_semaphore(%dma_start3A_431 : memref<!tpu.dma_semaphore, #tpu.memory_space<semaphore_mem>>)
      } else {
      }
      %not3A = arith.constant true
      %not3A_407 = arith.xori %lt3A_256, %not3A : i1
      %convert_element_type3A_408 = arith.extui %not3A_407 : i1 to i32
      %cond3A_409 = arith.constant 0 : i32
      %cond3A_410 = arith.cmpi ne, %convert_element_type3A_408, %cond3A_409 : i32
      scf.if %cond3A_410 {
        %mul3A_421 = arith.constant 400 : i32
        %mul3A_422 = arith.muli %scan3A_383, %mul3A_421 : i32
        %add3A_423 = arith.addi %sub3A_260, %mul3A_422 : i32
        %dma_start3A_424 = arith.constant 0 : i32
        %dma_start3A_425 = arith.constant 0 : i32
        %dma_start3A_426 = tpu.memref_slice %arg12[%rem3A_386, %dma_start3A_424, %dma_start3A_425] : memref<4x400x64xf32, #tpu.memory_space<vmem>> -> memref<1x400x64xf32, #tpu.memory_space<vmem>>
        %dma_start3A_427 = tpu.memref_squeeze %dma_start3A_426 : memref<1x400x64xf32, #tpu.memory_space<vmem>> -> memref<400x64xf32, #tpu.memory_space<vmem>>
        %dma_start3A_428 = arith.constant 64 : i32
        %dma_start3A_429 = tpu.memref_slice %arg10[%add3A_423, %dma_start3A_428] : memref<102400x128xf32, #tpu.memory_space<hbm>> -> memref<400x64xf32, #tpu.memory_space<hbm>>
        %dma_start3A_430 = tpu.memref_slice %arg14[%rem3A_386] : memref<4x!tpu.dma_semaphore, #tpu.memory_space<semaphore_mem>> -> memref<1x!tpu.dma_semaphore, #tpu.memory_space<semaphore_mem>>
        %dma_start3A_431 = tpu.memref_squeeze %dma_start3A_430 : memref<1x!tpu.dma_semaphore, #tpu.memory_space<semaphore_mem>> -> memref<!tpu.dma_semaphore, #tpu.memory_space<semaphore_mem>>
        %dma_start3A_432 = arith.constant 64 : i32
        %dma_start3A_433 = tpu.memref_slice %arg10[%add3A_423, %dma_start3A_432] : memref<102400x128xf32, #tpu.memory_space<hbm>> -> memref<400x64xf32, #tpu.memory_space<hbm>>
        %dma_start3A_434 = arith.constant 0 : i32
        %dma_start3A_435 = arith.constant 0 : i32
        %dma_start3A_436 = tpu.memref_slice %arg12[%rem3A_386, %dma_start3A_434, %dma_start3A_435] : memref<4x400x64xf32, #tpu.memory_space<vmem>> -> memref<1x400x64xf32, #tpu.memory_space<vmem>>
        %dma_start3A_437 = tpu.memref_squeeze %dma_start3A_436 : memref<1x400x64xf32, #tpu.memory_space<vmem>> -> memref<400x64xf32, #tpu.memory_space<vmem>>
        tpu.enqueue_dma source(%dma_start3A_437 : memref<400x64xf32, #tpu.memory_space<vmem>>) target(%dma_start3A_433 : memref<400x64xf32, #tpu.memory_space<hbm>>) target_semaphore(%dma_start3A_431 : memref<!tpu.dma_semaphore, #tpu.memory_space<semaphore_mem>>)
      } else {
      }
      %add3A_411 = arith.constant 4 : i32
      %add3A_412 = arith.addi %scan3A_383, %add3A_411 : i32
      %sub3A_413 = arith.constant 1 : i32
      %sub3A_414 = arith.subi %add3A_412, %sub3A_413 : i32
      %lt3A_415 = arith.constant 16 : i32
      %lt3A_416 = arith.cmpi slt, %sub3A_414, %lt3A_415 : i32
      %convert_element_type3A_417 = arith.extui %lt3A_416 : i1 to i32
      %cond3A_418 = arith.constant 0 : i32
      %cond3A_419 = arith.cmpi ne, %convert_element_type3A_417, %cond3A_418 : i32
      scf.if %cond3A_419 {
        %add3A_421 = arith.constant 4 : i32
        %add3A_422 = arith.addi %scan3A_383, %add3A_421 : i32
        %sub3A_423 = arith.constant 1 : i32
        %sub3A_424 = arith.subi %add3A_422, %sub3A_423 : i32
        %rem3A_425 = arith.constant 4 : i32
        %rem3A_426 = arith.remsi %sub3A_424, %rem3A_425 : i32
        %ge3A = arith.constant 1 : i32
        %ge3A_427 = arith.cmpi sge, %scan3A_383, %ge3A : i32
        %convert_element_type3A_428 = arith.extui %ge3A_427 : i1 to i32
        %cond3A_429 = arith.constant 0 : i32
        %cond3A_430 = arith.cmpi ne, %convert_element_type3A_428, %cond3A_429 : i32
        scf.if %cond3A_430 {
          %sub3A_447 = arith.constant 1 : i32
          %sub3A_448 = arith.subi %scan3A_383, %sub3A_447 : i32
          %mul3A_449 = arith.constant 400 : i32
          %mul3A_450 = arith.muli %sub3A_448, %mul3A_449 : i32
          %add3A_451 = arith.addi %sub3A_260, %mul3A_450 : i32
          %dma_wait3A_452 = arith.constant 0 : i32
          %dma_wait3A_453 = arith.constant 0 : i32
          %dma_wait3A_454 = tpu.memref_slice %arg12[%rem3A_426, %dma_wait3A_452, %dma_wait3A_453] : memref<4x400x64xf32, #tpu.memory_space<vmem>> -> memref<1x400x64xf32, #tpu.memory_space<vmem>>
          %dma_wait3A_455 = tpu.memref_squeeze %dma_wait3A_454 : memref<1x400x64xf32, #tpu.memory_space<vmem>> -> memref<400x64xf32, #tpu.memory_space<vmem>>
          %dma_wait3A_456 = arith.constant 0 : i32
          %dma_wait3A_457 = tpu.memref_slice %arg10[%add3A_451, %dma_wait3A_456] : memref<102400x128xf32, #tpu.memory_space<hbm>> -> memref<400x64xf32, #tpu.memory_space<hbm>>
          %dma_wait3A_458 = tpu.memref_slice %arg14[%rem3A_426] : memref<4x!tpu.dma_semaphore, #tpu.memory_space<semaphore_mem>> -> memref<1x!tpu.dma_semaphore, #tpu.memory_space<semaphore_mem>>
          %dma_wait3A_459 = tpu.memref_squeeze %dma_wait3A_458 : memref<1x!tpu.dma_semaphore, #tpu.memory_space<semaphore_mem>> -> memref<!tpu.dma_semaphore, #tpu.memory_space<semaphore_mem>>
          %dma_wait3A_460 = arith.constant 0 : i32
          %dma_wait3A_461 = tpu.memref_slice %arg10[%add3A_451, %dma_wait3A_460] : memref<102400x128xf32, #tpu.memory_space<hbm>> -> memref<400x64xf32, #tpu.memory_space<hbm>>
          %dma_wait3A_462 = arith.constant 0 : i32
          %dma_wait3A_463 = arith.constant 0 : i32
          %dma_wait3A_464 = tpu.memref_slice %arg12[%rem3A_426, %dma_wait3A_462, %dma_wait3A_463] : memref<4x400x64xf32, #tpu.memory_space<vmem>> -> memref<1x400x64xf32, #tpu.memory_space<vmem>>
          %dma_wait3A_465 = tpu.memref_squeeze %dma_wait3A_464 : memref<1x400x64xf32, #tpu.memory_space<vmem>> -> memref<400x64xf32, #tpu.memory_space<vmem>>
          tpu.wait_dma2 semaphore(%dma_wait3A_459 : memref<!tpu.dma_semaphore, #tpu.memory_space<semaphore_mem>>) src(%dma_wait3A_465 : memref<400x64xf32, #tpu.memory_space<vmem>>) dst(%dma_wait3A_461 : memref<400x64xf32, #tpu.memory_space<hbm>>)
        } else {
        }
        %add3A_431 = arith.constant 4 : i32
        %add3A_432 = arith.addi %scan3A_383, %add3A_431 : i32
        %sub3A_433 = arith.constant 1 : i32
        %sub3A_434 = arith.subi %add3A_432, %sub3A_433 : i32
        %mul3A_435 = arith.constant 400 : i32
        %mul3A_436 = arith.muli %sub3A_434, %mul3A_435 : i32
        %dma_start3A_437 = arith.constant 0 : i32
        %dma_start3A_438 = arith.constant 0 : i32
        %dma_start3A_439 = tpu.memref_slice %arg12[%rem3A_426, %dma_start3A_437, %dma_start3A_438] : memref<4x400x64xf32, #tpu.memory_space<vmem>> -> memref<1x400x64xf32, #tpu.memory_space<vmem>>
        %dma_start3A_440 = tpu.memref_squeeze %dma_start3A_439 : memref<1x400x64xf32, #tpu.memory_space<vmem>> -> memref<400x64xf32, #tpu.memory_space<vmem>>
        %dma_start3A_441 = tpu.memref_slice %arg11[%mul3A_436] : memref<25600xi32, #tpu.memory_space<vmem>> -> memref<400xi32, #tpu.memory_space<vmem>>
        %dma_start3A_442 = arith.constant 0 : i32
        %dma_start3A_443 = arith.constant 0 : i32
        %dma_start3A_444 = tpu.memref_slice %arg7[%dma_start3A_442, %dma_start3A_443] : memref<1000000x64xf32, #tpu.memory_space<hbm>> -> memref<1000000x64xf32, #tpu.memory_space<hbm>>
        %dma_start3A_445 = tpu.memref_slice %arg13[%rem3A_426] : memref<4x!tpu.dma_semaphore, #tpu.memory_space<semaphore_mem>> -> memref<1x!tpu.dma_semaphore, #tpu.memory_space<semaphore_mem>>
        %dma_start3A_446 = tpu.memref_squeeze %dma_start3A_445 : memref<1x!tpu.dma_semaphore, #tpu.memory_space<semaphore_mem>> -> memref<!tpu.dma_semaphore, #tpu.memory_space<semaphore_mem>>
        tpu.enqueue_indirect_dma source(%dma_start3A_444 : memref<1000000x64xf32, #tpu.memory_space<hbm>>) target(%dma_start3A_440 : memref<400x64xf32, #tpu.memory_space<vmem>>) offsets(%dma_start3A_441 : memref<400xi32, #tpu.memory_space<vmem>>) semaphore(%dma_start3A_446 : memref<!tpu.dma_semaphore, #tpu.memory_space<semaphore_mem>>)
      } else {
      }
      %scan3A_420 = arith.constant 0 : i32
      scf.yield %scan3A_420 : i32
    }
    %scan3A_306 = arith.constant 16 : i32
    %rem3A_307 = arith.constant 12 : i32
    %rem3A_308 = arith.constant 4 : i32
    %rem3A_309 = arith.remsi %rem3A_307, %rem3A_308 : i32
    %add3A_310 = arith.constant 4800 : i32
    %add3A_311 = arith.addi %sub3A_260, %add3A_310 : i32
    %dma_wait3A_312 = arith.constant 0 : i32
    %dma_wait3A_313 = arith.constant 0 : i32
    %dma_wait3A_314 = tpu.memref_slice %arg12[%rem3A_309, %dma_wait3A_312, %dma_wait3A_313] : memref<4x400x64xf32, #tpu.memory_space<vmem>> -> memref<1x400x64xf32, #tpu.memory_space<vmem>>
    %dma_wait3A_315 = tpu.memref_squeeze %dma_wait3A_314 : memref<1x400x64xf32, #tpu.memory_space<vmem>> -> memref<400x64xf32, #tpu.memory_space<vmem>>
    %dma_wait3A_316 = arith.constant 0 : i32
    %dma_wait3A_317 = tpu.memref_slice %arg10[%add3A_311, %dma_wait3A_316] : memref<102400x128xf32, #tpu.memory_space<hbm>> -> memref<400x64xf32, #tpu.memory_space<hbm>>
    %dma_wait3A_318 = tpu.memref_slice %arg14[%rem3A_309] : memref<4x!tpu.dma_semaphore, #tpu.memory_space<semaphore_mem>> -> memref<1x!tpu.dma_semaphore, #tpu.memory_space<semaphore_mem>>
    %dma_wait3A_319 = tpu.memref_squeeze %dma_wait3A_318 : memref<1x!tpu.dma_semaphore, #tpu.memory_space<semaphore_mem>> -> memref<!tpu.dma_semaphore, #tpu.memory_space<semaphore_mem>>
    %dma_wait3A_320 = arith.constant 0 : i32
    %dma_wait3A_321 = tpu.memref_slice %arg10[%add3A_311, %dma_wait3A_320] : memref<102400x128xf32, #tpu.memory_space<hbm>> -> memref<400x64xf32, #tpu.memory_space<hbm>>
    %dma_wait3A_322 = arith.constant 0 : i32
    %dma_wait3A_323 = arith.constant 0 : i32
    %dma_wait3A_324 = tpu.memref_slice %arg12[%rem3A_309, %dma_wait3A_322, %dma_wait3A_323] : memref<4x400x64xf32, #tpu.memory_space<vmem>> -> memref<1x400x64xf32, #tpu.memory_space<vmem>>
    %dma_wait3A_325 = tpu.memref_squeeze %dma_wait3A_324 : memref<1x400x64xf32, #tpu.memory_space<vmem>> -> memref<400x64xf32, #tpu.memory_space<vmem>>
    tpu.wait_dma2 semaphore(%dma_wait3A_319 : memref<!tpu.dma_semaphore, #tpu.memory_space<semaphore_mem>>) src(%dma_wait3A_325 : memref<400x64xf32, #tpu.memory_space<vmem>>) dst(%dma_wait3A_321 : memref<400x64xf32, #tpu.memory_space<hbm>>)
    %rem3A_326 = arith.constant 13 : i32
    %rem3A_327 = arith.constant 4 : i32
    %rem3A_328 = arith.remsi %rem3A_326, %rem3A_327 : i32
    %add3A_329 = arith.constant 5200 : i32
    %add3A_330 = arith.addi %sub3A_260, %add3A_329 : i32
    %dma_wait3A_331 = arith.constant 0 : i32
    %dma_wait3A_332 = arith.constant 0 : i32
    %dma_wait3A_333 = tpu.memref_slice %arg12[%rem3A_328, %dma_wait3A_331, %dma_wait3A_332] : memref<4x400x64xf32, #tpu.memory_space<vmem>> -> memref<1x400x64xf32, #tpu.memory_space<vmem>>
    %dma_wait3A_334 = tpu.memref_squeeze %dma_wait3A_333 : memref<1x400x64xf32, #tpu.memory_space<vmem>> -> memref<400x64xf32, #tpu.memory_space<vmem>>
    %dma_wait3A_335 = arith.constant 0 : i32
    %dma_wait3A_336 = tpu.memref_slice %arg10[%add3A_330, %dma_wait3A_335] : memref<102400x128xf32, #tpu.memory_space<hbm>> -> memref<400x64xf32, #tpu.memory_space<hbm>>
    %dma_wait3A_337 = tpu.memref_slice %arg14[%rem3A_328] : memref<4x!tpu.dma_semaphore, #tpu.memory_space<semaphore_mem>> -> memref<1x!tpu.dma_semaphore, #tpu.memory_space<semaphore_mem>>
    %dma_wait3A_338 = tpu.memref_squeeze %dma_wait3A_337 : memref<1x!tpu.dma_semaphore, #tpu.memory_space<semaphore_mem>> -> memref<!tpu.dma_semaphore, #tpu.memory_space<semaphore_mem>>
    %dma_wait3A_339 = arith.constant 0 : i32
    %dma_wait3A_340 = tpu.memref_slice %arg10[%add3A_330, %dma_wait3A_339] : memref<102400x128xf32, #tpu.memory_space<hbm>> -> memref<400x64xf32, #tpu.memory_space<hbm>>
    %dma_wait3A_341 = arith.constant 0 : i32
    %dma_wait3A_342 = arith.constant 0 : i32
    %dma_wait3A_343 = tpu.memref_slice %arg12[%rem3A_328, %dma_wait3A_341, %dma_wait3A_342] : memref<4x400x64xf32, #tpu.memory_space<vmem>> -> memref<1x400x64xf32, #tpu.memory_space<vmem>>
    %dma_wait3A_344 = tpu.memref_squeeze %dma_wait3A_343 : memref<1x400x64xf32, #tpu.memory_space<vmem>> -> memref<400x64xf32, #tpu.memory_space<vmem>>
    tpu.wait_dma2 semaphore(%dma_wait3A_338 : memref<!tpu.dma_semaphore, #tpu.memory_space<semaphore_mem>>) src(%dma_wait3A_344 : memref<400x64xf32, #tpu.memory_space<vmem>>) dst(%dma_wait3A_340 : memref<400x64xf32, #tpu.memory_space<hbm>>)
    %rem3A_345 = arith.constant 14 : i32
    %rem3A_346 = arith.constant 4 : i32
    %rem3A_347 = arith.remsi %rem3A_345, %rem3A_346 : i32
    %add3A_348 = arith.constant 5600 : i32
    %add3A_349 = arith.addi %sub3A_260, %add3A_348 : i32
    %dma_wait3A_350 = arith.constant 0 : i32
    %dma_wait3A_351 = arith.constant 0 : i32
    %dma_wait3A_352 = tpu.memref_slice %arg12[%rem3A_347, %dma_wait3A_350, %dma_wait3A_351] : memref<4x400x64xf32, #tpu.memory_space<vmem>> -> memref<1x400x64xf32, #tpu.memory_space<vmem>>
    %dma_wait3A_353 = tpu.memref_squeeze %dma_wait3A_352 : memref<1x400x64xf32, #tpu.memory_space<vmem>> -> memref<400x64xf32, #tpu.memory_space<vmem>>
    %dma_wait3A_354 = arith.constant 0 : i32
    %dma_wait3A_355 = tpu.memref_slice %arg10[%add3A_349, %dma_wait3A_354] : memref<102400x128xf32, #tpu.memory_space<hbm>> -> memref<400x64xf32, #tpu.memory_space<hbm>>
    %dma_wait3A_356 = tpu.memref_slice %arg14[%rem3A_347] : memref<4x!tpu.dma_semaphore, #tpu.memory_space<semaphore_mem>> -> memref<1x!tpu.dma_semaphore, #tpu.memory_space<semaphore_mem>>
    %dma_wait3A_357 = tpu.memref_squeeze %dma_wait3A_356 : memref<1x!tpu.dma_semaphore, #tpu.memory_space<semaphore_mem>> -> memref<!tpu.dma_semaphore, #tpu.memory_space<semaphore_mem>>
    %dma_wait3A_358 = arith.constant 0 : i32
    %dma_wait3A_359 = tpu.memref_slice %arg10[%add3A_349, %dma_wait3A_358] : memref<102400x128xf32, #tpu.memory_space<hbm>> -> memref<400x64xf32, #tpu.memory_space<hbm>>
    %dma_wait3A_360 = arith.constant 0 : i32
    %dma_wait3A_361 = arith.constant 0 : i32
    %dma_wait3A_362 = tpu.memref_slice %arg12[%rem3A_347, %dma_wait3A_360, %dma_wait3A_361] : memref<4x400x64xf32, #tpu.memory_space<vmem>> -> memref<1x400x64xf32, #tpu.memory_space<vmem>>
    %dma_wait3A_363 = tpu.memref_squeeze %dma_wait3A_362 : memref<1x400x64xf32, #tpu.memory_space<vmem>> -> memref<400x64xf32, #tpu.memory_space<vmem>>
    tpu.wait_dma2 semaphore(%dma_wait3A_357 : memref<!tpu.dma_semaphore, #tpu.memory_space<semaphore_mem>>) src(%dma_wait3A_363 : memref<400x64xf32, #tpu.memory_space<vmem>>) dst(%dma_wait3A_359 : memref<400x64xf32, #tpu.memory_space<hbm>>)
    %rem3A_364 = arith.constant 15 : i32
    %rem3A_365 = arith.constant 4 : i32
    %rem3A_366 = arith.remsi %rem3A_364, %rem3A_365 : i32
    %add3A_367 = arith.constant 6000 : i32
    %add3A_368 = arith.addi %sub3A_260, %add3A_367 : i32
    %dma_wait3A_369 = arith.constant 0 : i32
    %dma_wait3A_370 = arith.constant 0 : i32
    %dma_wait3A_371 = tpu.memref_slice %arg12[%rem3A_366, %dma_wait3A_369, %dma_wait3A_370] : memref<4x400x64xf32, #tpu.memory_space<vmem>> -> memref<1x400x64xf32, #tpu.memory_space<vmem>>
    %dma_wait3A_372 = tpu.memref_squeeze %dma_wait3A_371 : memref<1x400x64xf32, #tpu.memory_space<vmem>> -> memref<400x64xf32, #tpu.memory_space<vmem>>
    %dma_wait3A_373 = arith.constant 0 : i32
    %dma_wait3A_374 = tpu.memref_slice %arg10[%add3A_368, %dma_wait3A_373] : memref<102400x128xf32, #tpu.memory_space<hbm>> -> memref<400x64xf32, #tpu.memory_space<hbm>>
    %dma_wait3A_375 = tpu.memref_slice %arg14[%rem3A_366] : memref<4x!tpu.dma_semaphore, #tpu.memory_space<semaphore_mem>> -> memref<1x!tpu.dma_semaphore, #tpu.memory_space<semaphore_mem>>
    %dma_wait3A_376 = tpu.memref_squeeze %dma_wait3A_375 : memref<1x!tpu.dma_semaphore, #tpu.memory_space<semaphore_mem>> -> memref<!tpu.dma_semaphore, #tpu.memory_space<semaphore_mem>>
    %dma_wait3A_377 = arith.constant 0 : i32
    %dma_wait3A_378 = tpu.memref_slice %arg10[%add3A_368, %dma_wait3A_377] : memref<102400x128xf32, #tpu.memory_space<hbm>> -> memref<400x64xf32, #tpu.memory_space<hbm>>
    %dma_wait3A_379 = arith.constant 0 : i32
    %dma_wait3A_380 = arith.constant 0 : i32
    %dma_wait3A_381 = tpu.memref_slice %arg12[%rem3A_366, %dma_wait3A_379, %dma_wait3A_380] : memref<4x400x64xf32, #tpu.memory_space<vmem>> -> memref<1x400x64xf32, #tpu.memory_space<vmem>>
    %dma_wait3A_382 = tpu.memref_squeeze %dma_wait3A_381 : memref<1x400x64xf32, #tpu.memory_space<vmem>> -> memref<400x64xf32, #tpu.memory_space<vmem>>
    tpu.wait_dma2 semaphore(%dma_wait3A_376 : memref<!tpu.dma_semaphore, #tpu.memory_space<semaphore_mem>>) src(%dma_wait3A_382 : memref<400x64xf32, #tpu.memory_space<vmem>>) dst(%dma_wait3A_378 : memref<400x64xf32, #tpu.memory_space<hbm>>)
    return
  }
}

module attributes {stable_mosaic.version = 14 : i64} {
  func.func @_enc_body(%arg0: memref<4096x256xf32, #tpu.memory_space<vmem>>, %arg1: memref<256x64xf32, #tpu.memory_space<vmem>>, %arg2: memref<1x64xf32, #tpu.memory_space<vmem>>, %arg3: memref<4096x64xf32, #tpu.memory_space<vmem>>) attributes {dimension_semantics = [], scalar_prefetch = 0 : i64, scratch_operands = 0 : i64, tpu.core_type = #tpu.core_type<tc>} {
    %get3A = arith.constant 0 : index
    %get3A_0 = arith.constant 0 : index
    %get3A_1 = vector.load %arg0[%get3A, %get3A_0] : memref<4096x256xf32, #tpu.memory_space<vmem>>, vector<4096x256xf32>
    %get3A_2 = arith.constant 0 : index
    %get3A_3 = arith.constant 0 : index
    %get3A_4 = vector.load %arg1[%get3A_2, %get3A_3] : memref<256x64xf32, #tpu.memory_space<vmem>>, vector<256x64xf32>
    %dot_general3A = arith.constant dense<0.000000e+00> : vector<4096x64xf32>
    %dot_general3A_5 = tpu.matmul %get3A_1, %get3A_4, %dot_general3A {dimension_numbers = #tpu.dot_dimension_numbers<[1], [0], [0], [1], [0, 0, 1, 1], [], []>, transpose_lhs_hint = false} : vector<4096x256xf32>, vector<256x64xf32>, vector<4096x64xf32> -> vector<4096x64xf32>
    %get3A_6 = arith.constant 0 : index
    %get3A_7 = arith.constant 0 : index
    %get3A_8 = vector.load %arg2[%get3A_6, %get3A_7] : memref<1x64xf32, #tpu.memory_space<vmem>>, vector<1x64xf32>
    %add3A = vector.broadcast %get3A_8 : vector<1x64xf32> to vector<4096x64xf32>
    %add3A_9 = arith.addf %dot_general3A_5, %add3A : vector<4096x64xf32>
    %max3A = arith.constant 0.000000e+00 : f32
    %max3A_10 = vector.broadcast %max3A : f32 to vector<4096x64xf32>
    %max3A_11 = arith.maximumf %add3A_9, %max3A_10 : vector<4096x64xf32>
    %swap3A = arith.constant 0 : index
    %swap3A_12 = arith.constant 0 : index
    %swap3A_13 = vector.load %arg3[%swap3A, %swap3A_12] : memref<4096x64xf32, #tpu.memory_space<vmem>>, vector<4096x64xf32>
    tpu.vector_store %arg3[%swap3A, %swap3A_12], %max3A_11 {strides = array<i32>} : memref<4096x64xf32, #tpu.memory_space<vmem>>, vector<4096x64xf32>,
    return
  }
}

module attributes {stable_mosaic.version = 14 : i64} {
  func.func @_post_body(%arg0: i32, %arg1: i32, %arg2: memref<8192x128xf32, #tpu.memory_space<vmem>>, %arg3: memref<64x8192xf32, #tpu.memory_space<vmem>>) attributes {dimension_semantics = [#tpu.dimension_semantics<arbitrary>, #tpu.dimension_semantics<arbitrary>], iteration_bounds = array<i64: 50, 2>, scalar_prefetch = 0 : i64, scratch_operands = 0 : i64, tpu.core_type = #tpu.core_type<tc>, window_params = [{transform_indices = @transform_0, window_bounds = array<i64: 8192, 128>}, {transform_indices = @transform_1, window_bounds = array<i64: 64, 8192>}]} {
    %iota3A = tpu.iota {dimensions = array<i32: 0>} : vector<128x128xi32>
    %iota3A_0 = tpu.iota {dimensions = array<i32: 1>} : vector<128x128xi32>
    %add3A = arith.constant 0 : i32
    %add3A_1 = vector.broadcast %add3A : i32 to vector<128x128xi32>
    %add3A_2 = arith.addi %iota3A, %add3A_1 : vector<128x128xi32>
    %eq3A = arith.cmpi eq, %add3A_2, %iota3A_0 : vector<128x128xi32>
    %convert_element_type3A = arith.extui %eq3A : vector<128x128xi1> to vector<128x128xi32>
    %convert_element_type3A_3 = arith.sitofp %convert_element_type3A : vector<128x128xi32> to vector<128x128xf32>
    %get3A = arith.constant 0 : index
    %get3A_4 = arith.constant 0 : index
    %get3A_5 = vector.load %arg2[%get3A, %get3A_4] : memref<8192x128xf32, #tpu.memory_space<vmem>>, vector<8192x128xf32>
    %dot_general3A = arith.constant dense<0.000000e+00> : vector<128x8192xf32>
    %dot_general3A_6 = tpu.matmul %convert_element_type3A_3, %get3A_5, %dot_general3A {dimension_numbers = #tpu.dot_dimension_numbers<[1], [1], [0], [0], [0, 0, 1, 0], [], []>, transpose_lhs_hint = false} : vector<128x128xf32>, vector<8192x128xf32>, vector<128x8192xf32> -> vector<128x8192xf32>
    %eq3A_7 = arith.constant 0 : i32
    %eq3A_8 = arith.cmpi eq, %arg1, %eq3A_7 : i32
    %slice3A = vector.extract_strided_slice %dot_general3A_6 {offsets = [0, 0], sizes = [64, 8192], strides = [1, 1]} : vector<128x8192xf32> to vector<64x8192xf32>
    %slice3A_9 = vector.extract_strided_slice %dot_general3A_6 {offsets = [64, 0], sizes = [64, 8192], strides = [1, 1]} : vector<128x8192xf32> to vector<64x8192xf32>
    %select_n3A = arith.select %eq3A_8, %slice3A, %slice3A_9 : vector<64x8192xf32>
    %swap3A = arith.constant 0 : index
    %swap3A_10 = arith.constant 0 : index
    %swap3A_11 = vector.load %arg3[%swap3A, %swap3A_10] : memref<64x8192xf32, #tpu.memory_space<vmem>>, vector<64x8192xf32>
    tpu.vector_store %arg3[%swap3A, %swap3A_10], %select_n3A {strides = array<i32>} : memref<64x8192xf32, #tpu.memory_space<vmem>>, vector<64x8192xf32>,
    return
  }
  func.func @transform_0(%arg0: i32, %arg1: i32) -> (i32, i32) {
    %c0_i32 = arith.constant 0 : i32
    %c0_i32_0 = arith.constant 0 : i32
    return %arg0, %c0_i32 : i32, i32
  }
  func.func @transform_1(%arg0: i32, %arg1: i32) -> (i32, i32) {
    %mul3A = arith.constant 50 : i32
    %mul3A_0 = arith.muli %arg1, %mul3A : i32
    %add3A = arith.addi %mul3A_0, %arg0 : i32
    %c0_i32 = arith.constant 0 : i32
    %c0_i32_1 = arith.constant 0 : i32
    return %c0_i32, %add3A : i32, i32
  }
}

module attributes {stable_mosaic.version = 14 : i64} {
  func.func @_post_body(%arg0: i32, %arg1: i32, %arg2: memref<4096x128xf32, #tpu.memory_space<vmem>>, %arg3: memref<64x4096xf32, #tpu.memory_space<vmem>>) attributes {dimension_semantics = [#tpu.dimension_semantics<arbitrary>, #tpu.dimension_semantics<arbitrary>], iteration_bounds = array<i64: 25, 2>, scalar_prefetch = 0 : i64, scratch_operands = 0 : i64, tpu.core_type = #tpu.core_type<tc>, window_params = [{transform_indices = @transform_0, window_bounds = array<i64: 4096, 128>}, {transform_indices = @transform_1, window_bounds = array<i64: 64, 4096>}]} {
    %iota3A = tpu.iota {dimensions = array<i32: 0>} : vector<128x128xi32>
    %iota3A_0 = tpu.iota {dimensions = array<i32: 1>} : vector<128x128xi32>
    %add3A = arith.constant 0 : i32
    %add3A_1 = vector.broadcast %add3A : i32 to vector<128x128xi32>
    %add3A_2 = arith.addi %iota3A, %add3A_1 : vector<128x128xi32>
    %eq3A = arith.cmpi eq, %add3A_2, %iota3A_0 : vector<128x128xi32>
    %convert_element_type3A = arith.extui %eq3A : vector<128x128xi1> to vector<128x128xi32>
    %convert_element_type3A_3 = arith.sitofp %convert_element_type3A : vector<128x128xi32> to vector<128x128xf32>
    %get3A = arith.constant 0 : index
    %get3A_4 = arith.constant 0 : index
    %get3A_5 = vector.load %arg2[%get3A, %get3A_4] : memref<4096x128xf32, #tpu.memory_space<vmem>>, vector<4096x128xf32>
    %dot_general3A = arith.constant dense<0.000000e+00> : vector<128x4096xf32>
    %dot_general3A_6 = tpu.matmul %convert_element_type3A_3, %get3A_5, %dot_general3A {dimension_numbers = #tpu.dot_dimension_numbers<[1], [1], [0], [0], [0, 0, 1, 0], [], []>, transpose_lhs_hint = false} : vector<128x128xf32>, vector<4096x128xf32>, vector<128x4096xf32> -> vector<128x4096xf32>
    %eq3A_7 = arith.constant 0 : i32
    %eq3A_8 = arith.cmpi eq, %arg1, %eq3A_7 : i32
    %slice3A = vector.extract_strided_slice %dot_general3A_6 {offsets = [0, 0], sizes = [64, 4096], strides = [1, 1]} : vector<128x4096xf32> to vector<64x4096xf32>
    %slice3A_9 = vector.extract_strided_slice %dot_general3A_6 {offsets = [64, 0], sizes = [64, 4096], strides = [1, 1]} : vector<128x4096xf32> to vector<64x4096xf32>
    %select_n3A = arith.select %eq3A_8, %slice3A, %slice3A_9 : vector<64x4096xf32>
    %swap3A = arith.constant 0 : index
    %swap3A_10 = arith.constant 0 : index
    %swap3A_11 = vector.load %arg3[%swap3A, %swap3A_10] : memref<64x4096xf32, #tpu.memory_space<vmem>>, vector<64x4096xf32>
    tpu.vector_store %arg3[%swap3A, %swap3A_10], %select_n3A {strides = array<i32>} : memref<64x4096xf32, #tpu.memory_space<vmem>>, vector<64x4096xf32>,
    return
  }
  func.func @transform_0(%arg0: i32, %arg1: i32) -> (i32, i32) {
    %c0_i32 = arith.constant 0 : i32
    %c0_i32_0 = arith.constant 0 : i32
    return %arg0, %c0_i32 : i32, i32
  }
  func.func @transform_1(%arg0: i32, %arg1: i32) -> (i32, i32) {
    %mul3A = arith.constant 25 : i32
    %mul3A_0 = arith.muli %arg1, %mul3A : i32
    %add3A = arith.addi %mul3A_0, %arg0 : i32
    %c0_i32 = arith.constant 0 : i32
    %c0_i32_1 = arith.constant 0 : i32
    return %c0_i32, %add3A : i32, i32
  }
}

</mosaic_0001>

<sc_bundles>
// kernel: kernel.7.cloned.1.call-start
scs
__scs_entry_jumppad:
0x0: {  	(pc) =	sbr.rel $0x88, $3  }
0x1: {  	(tag) =	ssettag $0x0;
	lr =	simm.s32 $0x1  }
0x2: {  	[smem:$0x3F98] =	sst lr;
	_ =	strace $0xD0000000  }
0x3: {  	_ = 	snop  }
0x4: {  	_ = 	snop  }
0x5: {  	_ = 	snop  }
0x6: {  	_ = 	snop  }
0x7: {  	_ = 	snop  }
__scs_overlays_trampoline_lowered:
0x8: {  	[smem:$0x3FA7] =	sst s0  }
0x9: {  	[smem:$0x3FA8] =	sst s1  }
0xa: {  	[smem:$0x3FA9] =	sst s2  }
0xb: {  	[smem:$0x3FAA] =	sst s3  }
0xc: {  	[smem:$0x3FAB] =	sst s4  }
0xd: {  	[smem:$0x3FAC] =	sst s5  }
0xe: {  	[smem:$0x3FAD] =	sst s6  }
0xf: {  	[smem:$0x3FAE] =	sst s7  }
0x10: {  	[smem:$0x3FAF] =	sst s8  }
0x11: {  	[smem:$0x3FB0] =	sst s9;
	s0 =	simm.s32 @!p0 $0x0  }
0x12: {  	s1 =	sld [smem:$0x3F96];
	s0 =	simm.s32 @p0 $0x1  }
0x13: {  	[smem:$0x3FB1] =	sst s0;
	s0 =	simm.s32 @!p1 $0x0  }
0x14: {  	s2 =	sld [smem:$0x3F95];
	s0 =	simm.s32 @p1 $0x1  }
0x15: {  	[smem:$0x3FB2] =	sst s0;
	s0 =	simm.s32 @!p2 $0x0  }
0x16: {  	s3 =	sld [smem:$0x3FDB];
	s0 =	simm.s32 @p2 $0x1  }
0x17: {  	s4 =	simm.s32 $0x1BF5;
	[smem:$0x3FB4] =	sst s0  }
0x18: {  	s0 =	sld [smem:$0x3F97];
	_ =	swait.ge [sflag:s4], $0x0  }
0x19: {  	s7 =	sld [smem:$0x3F98]  }
0x1a: {  	s8 =	sadd.s32 $0xFFFFE003, lr  }
0x1b: {  	s9 =	sadd.s32 $0xFFFFFEF7, lr;
	s5 =	simm.s32 $0xFFFFFFFF;
	p2 =	slt.u32 s8, $0xFFFFF086  }
0x1c: {  	p1 =	slt.u32 s9, $0xF7A;
	s5 =	simm.s32 @!p2 $0x0  }
0x1d: {  	s5 =	simm.s32 @p1 $0x1;
	p0 =	seq.s32 s7, s2  }
0x1e: {  	s7 =	smul.u32 @!p0 $0xF7A, s2;
	p2 =	seq.s32 @!p0 s5, $0x0  }
0x1f: {  	s9 =	smul.u32 $0xF7A, s1;
	s8 =	simm.s32 @!p0 $0x1BF5;
	p2 =	por !p2, p0  }
0x20: {  	[sflag:s8] =	ssyncset.s32 @!p0 $0xFFFFF086;
	s6 =	sadd.s32 @!p0 s3, s7;
	s7 =	simm.s32 @!p0 $0x108  }
0x21: {  	s3 =	sadd.s32 s3, s9;
	s6 =	sadd.s32 @!p0 $0x88, s6;
	s7 =	simm.s32 @p2 $0x1082  }
0x22: {  	[simem:s7], [sflag:s8] =	dma.local @!p0 [hbm:s6], $0xF7A  }
0x23: {  	s9 =	sor.u32 $0xD0000000, s2;
	s6 =	simm.s32 $0x108;
	_ =	swait.ge @!p0 [sflag:s8], $0x0  }
0x24: {  	s3 =	sadd.s32 $0x88, s3;
	s6 =	simm.s32 @!p1 $0x1082;
	[sflag:s4] =	ssyncset.s32 $0xFFFFF086  }
0x25: {  	[simem:s6], [sflag:s4] =	dma.local [hbm:s3], $0xF7A  }
0x26: {  	[smem:$0x3F98] =	sst s1;
	(tag) =	ssettag s2;
	_ =	strace s9  }
0x27: {  	s1 =	sld [smem:$0x3FA8]  }
0x28: {  	s2 =	sld [smem:$0x3FA9]  }
0x29: {  	s4 =	sld [smem:$0x3FAB]  }
0x2a: {  	p0 =	seq.s32 s5, $0x0;
	s5 =	sld [smem:$0x3FAC]  }
0x2b: {  	s6 =	sld [smem:$0x3FAD]  }
0x2c: {  	s7 =	sld [smem:$0x3FAE]  }
0x2d: {  	s3 =	simm.s32 $0x108;
	s8 =	sld [smem:$0x3FAF]  }
0x2e: {  	s3 =	simm.s32 @!p0 $0x1082;
	s9 =	sld [smem:$0x3FB0]  }
0x2f: {  	lr =	sadd.s32 s0, s3;
	s0 =	sld [smem:$0x3FA7]  }
0x30: {  	s3 =	sld [smem:$0x3FAA]  }
0x31: {  	[smem:$0x3FB3] =	sst s10  }
0x32: {  	s10 =	sld [smem:$0x3FB1];
	_ =	sdelay $0x3  }
0x33: {  	p0 =	seq.s32 s10, $0x1;
	s10 =	sld [smem:$0x3FB3];
	_ =	sdelay $0x3  }
0x34: {  	[smem:$0x3FB3] =	sst s10  }
0x35: {  	s10 =	sld [smem:$0x3FB2];
	_ =	sdelay $0x3  }
0x36: {  	p1 =	seq.s32 s10, $0x1;
	s10 =	sld [smem:$0x3FB3];
	_ =	sdelay $0x3  }
0x37: {  	[smem:$0x3FB3] =	sst s10  }
0x38: {  	s10 =	sld [smem:$0x3FB4]  }
0x39: {  	_ = 	snop;
	(pc) =	sbr.ind lr, $3  }
0x3a: {  	_ = 	snop  }
0x3b: {  	_ = 	snop  }
0x3c: {  	p2 =	seq.s32 s10, $0x1;
	s10 =	sld [smem:$0x3FB3]  }
0x3d: {  	_ =	shalt  }
0x3e: {  	_ =	shalt  }
0x3f: {  	_ =	shalt  }
0x40: {  	_ =	shalt  }
0x41: {  	_ =	shalt  }
0x42: {  	_ =	shalt  }
0x43: {  	_ =	shalt  }
0x44: {  	_ =	shalt  }
0x45: {  	_ =	shalt  }
0x46: {  	_ =	shalt  }
0x47: {  	_ =	shalt  }
0x48: {  	_ =	shalt  }
0x49: {  	_ =	shalt  }
0x4a: {  	_ =	shalt  }
0x4b: {  	_ =	shalt  }
0x4c: {  	_ =	shalt  }
0x4d: {  	_ =	shalt  }
0x4e: {  	_ =	shalt  }
0x4f: {  	_ =	shalt  }
0x50: {  	_ =	shalt  }
0x51: {  	_ =	shalt  }
0x52: {  	_ =	shalt  }
0x53: {  	_ =	shalt  }
0x54: {  	_ =	shalt  }
0x55: {  	_ =	shalt  }
0x56: {  	_ =	shalt  }
0x57: {  	_ =	shalt  }
0x58: {  	_ =	shalt  }
0x59: {  	_ =	shalt  }
0x5a: {  	_ =	shalt  }
0x5b: {  	_ =	shalt  }
0x5c: {  	_ =	shalt  }
0x5d: {  	_ =	shalt  }
0x5e: {  	_ =	shalt  }
0x5f: {  	_ =	shalt  }
0x60: {  	_ =	shalt  }
0x61: {  	_ =	shalt  }
0x62: {  	_ =	shalt  }
0x63: {  	_ =	shalt  }
0x64: {  	_ =	shalt  }
0x65: {  	_ =	shalt  }
0x66: {  	_ =	shalt  }
0x67: {  	_ =	shalt  }
0x68: {  	_ =	shalt  }
0x69: {  	_ =	shalt  }
0x6a: {  	_ =	shalt  }
0x6b: {  	_ =	shalt  }
0x6c: {  	_ =	shalt  }
0x6d: {  	_ =	shalt  }
0x6e: {  	_ =	shalt  }
0x6f: {  	_ =	shalt  }
0x70: {  	_ =	shalt  }
0x71: {  	_ =	shalt  }
0x72: {  	_ =	shalt  }
0x73: {  	_ =	shalt  }
0x74: {  	_ =	shalt  }
0x75: {  	_ =	shalt  }
0x76: {  	_ =	shalt  }
0x77: {  	_ =	shalt  }
0x78: {  	_ =	shalt  }
0x79: {  	_ =	shalt  }
0x7a: {  	_ =	shalt  }
0x7b: {  	_ =	shalt  }
0x7c: {  	_ =	shalt  }
0x7d: {  	_ =	shalt  }
0x7e: {  	_ =	shalt  }
0x7f: {  	_ =	shalt  }
0x80: {  	_ =	shalt  }
0x81: {  	_ =	shalt  }
0x82: {  	_ =	shalt  }
0x83: {  	_ =	shalt  }
0x84: {  	_ =	shalt  }
0x85: {  	_ =	shalt  }
0x86: {  	_ =	shalt  }
0x87: {  	_ =	shalt  }
.Lfunc_end0:
.L_simem_size_0:
called_computation_lowered:
.L_overlay_start_0:
0x88: {  	s2 =	sld [smem:$0x3FD9]  }
0x89: {  	s3 =	sld [smem:$0x3FFE];
	_ =	sdelay $0x1  }
0x8a: {  	s1 =	srdreg.scid  }
0x8b: {  	s0 =	sand.u32 $0x1, s1  }
0x8c: {  	s14 =	sshll.u32 s0, $0xA;
	s2 =	sadd.s32 s3, s2  }
0x8d: {  	s2 =	sadd.s32 s2, s14  }
0x8e: {  	[smem:$0x3FBF] =	sst s2  }
0x8f: {  	_ = 	snop  }
0x90: {  	s2 =	sld [smem:$0x3FD0];
	_ =	sdelay $0x2  }
0x91: {  	s15 =	simm.s32 $0xA;
	s4 =	simm.s32 $0x10  }
0x92: {  	[smem:s4], [sflag:s15] =	dma.local [hbm:s2], $0x1  }
0x93: {  	_ =	swait.eq [sflag:s15], $0x1  }
0x94: {  	s16 =	sld [smem:$0x11];
	[sflag:s15] =	ssyncset.done $0x0  }
0x95: {  	s17 =	sld [smem:$0x12];
	[sflag:s15] =	ssyncadd.s32 $0xFFFFFFFF  }
0x96: {  	s18 =	sld [smem:$0x13];
	(tm) =	ssettm $0x1  }
0x97: {  	s5 =	sld [smem:$0x3FFB];
	_ =	sdelay $0x3  }
0x98: {  	_ =	strace s5  }
0x99: {  	s5 =	sld [smem:$0x3FFC];
	_ =	sdelay $0x3  }
0x9a: {  	_ =	strace s5  }
0x9b: {  	s5 =	sld [smem:$0x3FFD];
	_ =	sdelay $0x3  }
0x9c: {  	_ =	strace s5  }
0x9d: {  	_ =	strace $0x8FFFFFFF  }
0x9e: {  	s19 =	sld [smem:$0x3FDB];
	_ =	sdelay $0x1  }
0x9f: {  	s6 =	simm.s32 $_scs_section_size  }
0xa0: {  	s7 =	simm.s32 $_size__tile_overlayer_lowered;
	s8 =	simm.s32 $_tile_overlayer_lowered  }
0xa1: {  	s22 =	simm.s32 $0x1BFF;
	s21 =	sshll.u32 s8, $0x1;
	s5 =	sadd.s32 s6, s19  }
0xa2: {  	s9 =	simm.s32 $0x0;
	s20 =	sshll.u32 s7, $0x1;
	s7 =	sadd.s32 s21, s5  }
0xa3: {  	[timem:s9], [sflag:s22] =	dma.local [hbm:s7], s20  }
0xa4: {  	_ =	swait.ge [sflag:s22], s20  }
0xa5: {  	s6 =	ssub.s32 $0x0, s20;
	[sflag:s22] =	ssyncset.done $0x0  }
0xa6: {  	[sflag:s22] =	ssyncadd.s32 s6;
	_ =	sdelay $0x1  }
0xa7: {  	s23 =	simm.s32 $0x1B8B  }
0xa8: {  	_ =	swait.ge [sflag:s23], $0x1  }
0xa9: {  	[sflag:s23] =	ssyncset.done $0x0  }
0xaa: {  	s25 =	simm.s32 $0x1B8E;
	s24 =	sld [smem:$0x3FFE];
	[sflag:s23] =	ssyncadd.s32 $0xFFFFFFFF  }
0xab: {  	s26 =	simm.s32 $execute0_lowered;
	[smem:$0x3FD2] =	sst s25  }
0xac: {  	s7 =	sshll.u32 s26, $0x1;
	_ =	strace $0x80000046;
	[dreg:$0x1] =	wrdreg $0xFFFFFFFF  }
0xad: {  	s28 =	simm.s32 $_size_execute0_lowered;
	s5 =	sadd.s32 s5, s7;
	[dreg:$0x0] =	wrdreg $0x0  }
0xae: {  	s7 =	sshll.u32 s28, $0x1;
	[dreg:$0x2] =	wrdreg s5  }
0xaf: {  	[dreg:$0x3] =	wrdreg s7  }
0xb0: {  	[dreg:$0x4] =	wrdreg $0xC0  }
0xb1: {  	_ =	task [dreg:s9], $0x5FFFF  }
0xb2: {  	[dreg:$0x1] =	wrdreg $0xFFFFFFFF  }
0xb3: {  	[dreg:$0x0] =	wrdreg $0x60  }
0xb4: {  	[dreg:$0x2] =	wrdreg s24  }
0xb5: {  	[dreg:$0x3] =	wrdreg s17  }
0xb6: {  	[dreg:$0x4] =	wrdreg s16  }
0xb7: {  	[dreg:$0x5] =	wrdreg s18  }
0xb8: {  	[dreg:$0x6] =	wrdreg $0x9  }
0xb9: {  	_ =	task.clear_ibuf [dreg:s9], $0x7FFFF;
	_ =	strace $0x90000046  }
0xba: {  	s29 =	simm.s32 $0x9;
	_ =	strace $0x80000048  }
0xbb: {  	_ =	swait.ge [sflag:s29], $0x1  }
0xbc: {  	[sflag:s29] =	ssyncadd.s32 $0xFFFFFFFF  }
0xbd: {  	_ =	strace $0x90000048  }
0xbe: {  	_ =	sfence  }
0xbf: {  	s30 =	sld [smem:$0x0];
	_ =	sdelay $0x2  }
0xc0: {  	s31 =	sshll.u32 s1, $0xD;
	s1 =	sshrl.u32 s1, $0x2  }
0xc1: {  	s3 =	sand.u32 $0x4000, s31;
	s1 =	sadd.s32 s1, s30  }
0xc2: {  	s0 =	sor.u32 s3, s0;
	s1 =	sshll.u32 s1, $0x11  }
0xc3: {  	s0 =	sor.u32 s1, s0  }
0xc4: {  	s0 =	sadd.s32 $0x8F2B, s0  }
0xc5: {  	[sflag:s0] =	ssyncadd.remote.s32 $0x1  }
0xc6: {  	_ =	sfence.sel $0xFFFF  }
0xc7: {  	[dreg:$0x0] =	wrdreg $0xFFFFFFFF;
	(pc) =	sbr.abs _section_cstart, $3  }
0xc8: {  	[dreg:$0x1] =	wrdreg $0xFFFFFFFF  }
0xc9: {  	_ =	task.clear_ibuf [dreg:s9], $0x2FFFF;
	_ =	strace $0x9FFFFFFF  }
0xca: {  	(tm) =	ssettm $0x7FFFFFFF  }
0xcb: {  	_ =	shalt  }
tec
execute0_lowered:
.L_overlay_start_1:
0x0: {  	(tag) =	ssettag $0x1  }
0x1: {  	s0 =	rddreg [dreg:$0x0]  }
0x2: {  	s1 =	rddreg [dreg:$0x1]  }
0x3: {  	s2 =	srdreg.scid;
	s3 =	rddreg [dreg:$0x2]  }
0x4: {  	s9 =	stileid.u32;
	s7 =	rddreg [dreg:$0x3];
	s5 =	simm.s32 $0x0  }
0x5: {  	s12 =	simm.s32 $0x0;
	s15 =	simm.s32 $0x9;
	s16 =	simm.s32 $0x190  }
0x6: {  	s17 =	simm.s32 $0x6400;
	s18 =	simm.s32 $0xC800;
	s19 =	simm.s32 $0x320  }
0x7: {  	s20 =	simm.s32 $0x12C00;
	s21 =	simm.s32 $0x40;
	s22 =	simm.s32 $0x80  }
0x8: {  	s23 =	simm.s32 $0x5;
	s24 =	simm.s32 $0x6;
	s25 =	simm.s32 $0x7  }
0x9: {  	s26 =	simm.s32 $0x8;
	s28 =	simm.s32 $0x0;
	s2 =	sand.u32 $0x1, s2  }
0xa: {  	s4 =	sshll.u32 s9, $0x1;
	[smem:$0x7FF] =	sst s5;
	s13 =	sand.u32 $0x8, s9  }
0xb: {  	s5 =	sadd.s32 $0xF43C00, s0;
	p0 =	slt.u32 s9, $0x8;
	s4 =	sor.u32 s2, s4  }
0xc: {  	s9 =	simm.s32 $0x0;
	s2 =	ssub.s32 $0x2, s2;
	s6 =	smul.u32 $0x6400, s4  }
0xd: {  	_ =	strace $0x80000047;
	s4 =	smul.u32 $0x1900, s4;
	s11 =	sshrl.u32 s2, $0x1  }
0xe: {  	s9 =	simm.s32 @!p0 $0x1F9C000;
	s12 =	simm.s32 @!p0 $0xFFFE7000;
	s2 =	ssub.s32 s2, s11  }
0xf: {  	s30 =	sshrl.u32 s6, $0x3;
	s31 =	sshrl.u32 s4, $0x3;
	s6 =	sadd.s32 s9, s6  }
0x10: {  	s11 =	smax.u32 s2, $0x1;
	s8 =	sadd.s32 s30, s0;
	s10 =	sadd.s32 s31, s0  }
0x11: {  	s0 =	sadd.s32 s13, s0;
	s13 =	sadd.s32 s13, s7;
	s8 =	sadd.s32 $0x1800, s8  }
0x12: {  	s9 =	sadd.s32 $0x20C00, s10;
	s10 =	sadd.s32 $0x1A800, s10;
	s14 =	sadd.s32 $0x667000, s0  }
0x13: {  	[dreg:$0x5] =	wrdreg s8;
	s8 =	sadd.s32 s12, s4;
	s12 =	sadd.s32 $0x27000, s0  }
.LBB2_1:
0x14: {  	s0 =	simm.s32 $0x0;
	s2 =	rddreg [dreg:$0x5]  }
0x15: {  	[tilespmem:s0], [sflag:$0x9] =	stream.linear.gather [hbm4b:s2+s0], $0x6400, $0x38;
	[tilespmem:$0x1F400] =	vst v63  }
0x16: {  	_ =	swait.ge [sflag:s15], $0x6400  }
0x17: {  	[sflag:s15] =	ssyncset.done $0x0  }
0x18: {  	[sflag:s15] =	ssyncadd.s32 $0xFFFF9C00  }
0x19: {  	[tilespmem:s17], [sflag:$0x1] =	stream.indirect.gather [hbm4b:s1+s16], $0x40, s0, s16, $0xb8;
	[tilespmem:$0x1F400] =	vst v63  }
0x1a: {  	_ = 	snop  }
0x1b: {  	[tilespmem:s18], [sflag:$0x2] =	stream.indirect.gather [hbm4b:s1+s16], $0x40, s16, s16, $0xb8;
	[tilespmem:$0x1F400] =	vst v63  }
0x1c: {  	s29 =	simm.s32 $0x0;
	s30 =	simm.s32 $0x0  }
0x1d: {  	[tilespmem:s20], [sflag:$0x3] =	stream.indirect.gather [hbm4b:s1+s16], $0x40, s19, s16, $0xb8;
	[tilespmem:$0x1F400] =	vst v63  }
.LBB2_2:
0x1e: {  	s0 =	sand.u32 $0x3, s29;
	s31 =	sand.u32 $0x3, s30  }
0x1f: {  	s0 =	smul.u32 $0x19000, s0;
	s4 =	sadd.s32 $0x1, s31  }
0x20: {  	_ =	swait.ge [sflag:s4], $0x6400  }
0x21: {  	s0 =	sshrl.u32 s0, $0x2;
	[sflag:s4] =	ssyncset.done $0x0  }
0x22: {  	s2 =	sadd.s32 $0x6440, s0;
	[sflag:s4] =	ssyncadd.s32 $0xFFFF9C00  }
0x23: {  	v2 =	vld [tilespmem:s2+$0xFFFFFFC0]  }
0x24: {  	v3 =	vld [tilespmem:s2+$0xFFFFFFD0]  }
0x25: {  	v4 =	vld [tilespmem:s2+$0xFFFFFFE0]  }
0x26: {  	v1 =	vld [tilespmem:s2+$0x0]  }
0x27: {  	s7 =	smul.u32 $0x19000, s31;
	v0 =	vld [tilespmem:s2+$0x10]  }
0x28: {  	v5 =	vmax.f32 v2, $0.0e+00;
	v2 =	vld [tilespmem:s2+$0x20]  }
0x29: {  	s0 =	sshrl.u32 s7, $0x2;
	[tilespmem:s2+$0xFFFFFFC0] =	vst v5;
	v5 =	vmax.f32 v3, $0.0e+00;
	v3 =	vld [tilespmem:s2+$0x30]  }
0x2a: {  	s4 =	simm.s32 $0x0;
	s0 =	sadd.s32 $0x6400, s0;
	s7 =	sadd.s32 $0x80, s2;
	[tilespmem:s2+$0xFFFFFFD0] =	vst v5;
	v5 =	vmax.f32 v4, $0.0e+00;
	v4 =	vld [tilespmem:s2+$0xFFFFFFF0]  }
.LBB2_3:
0x2b: {  	v6 =	vld [tilespmem:s7+$0xFFFFFFC0];
	[tilespmem:s2+$0xFFFFFFE0] =	vst v5;
	v1 =	vmax.f32 v1, $0.0e+00  }
0x2c: {  	s4 =	sadd.s32 $0x2, s4;
	v5 =	vld [tilespmem:s7+$0xFFFFFFD0];
	[tilespmem:s2+$0x0] =	vst v1;
	v0 =	vmax.f32 v0, $0.0e+00  }
0x2d: {  	p0 =	slt.u32 s4, $0x18E;
	v7 =	vld [tilespmem:s7+$0xFFFFFFE0];
	[tilespmem:s2+$0x10] =	vst v0;
	v0 =	vmax.f32 v2, $0.0e+00  }
.Ltmp0:
0x2e: {  	v1 =	vld [tilespmem:s7+$0x0];
	[tilespmem:s2+$0x20] =	vst v0;
	v2 =	vmax.f32 v3, $0.0e+00;
	(pc) =	sbr.rel @p0 .LBB2_3-.Ltmp0, $4  }
0x2f: {  	v0 =	vld [tilespmem:s7+$0x10];
	v3 =	vmax.f32 v4, $0.0e+00;
	[tilespmem:s2+$0x30] =	vst v2  }
0x30: {  	v4 =	vmax.f32 v6, $0.0e+00;
	v2 =	vld [tilespmem:s7+$0x20];
	[tilespmem:s2+$0xFFFFFFF0] =	vst v3;
	s2 =	smov.u32 s7  }
0x31: {  	[tilespmem:s7+$0xFFFFFFC0] =	vst v4;
	v4 =	vmax.f32 v5, $0.0e+00;
	v3 =	vld [tilespmem:s7+$0x30]  }
0x32: {  	s7 =	sadd.s32 $0x80, s7;
	[tilespmem:s2+$0xFFFFFFD0] =	vst v4;
	v5 =	vmax.f32 v7, $0.0e+00;
	v4 =	vld [tilespmem:s2+$0xFFFFFFF0]  }
0x33: {  	[tilespmem:s2+$0xFFFFFFE0] =	vst v5;
	v1 =	vmax.f32 v1, $0.0e+00;
	s4 =	smul.u32 $0x190, s30  }
0x34: {  	[tilespmem:s2+$0x0] =	vst v1;
	v0 =	vmax.f32 v0, $0.0e+00  }
0x35: {  	[tilespmem:s2+$0x10] =	vst v0;
	v61 =	vmax.f32 v2, $0.0e+00;
	s4 =	sadd.s32 s6, s4  }
0x36: {  	[tilespmem:s2+$0x20] =	vst v61;
	v62 =	vmax.f32 v3, $0.0e+00;
	s4 =	sshll.u32 s4, $0x4  }
0x37: {  	v63 =	vmax.f32 v4, $0.0e+00;
	[tilespmem:s2+$0x30] =	vst v62;
	s4 =	sand.u32 $0x1FFFFF00, s4  }
0x38: {  	s31 =	sadd.s32 $0x5, s31;
	p0 =	sgt.u32 s30, $0x3C;
	[tilespmem:s2+$0xFFFFFFF0] =	vst v63;
	s4 =	sadd.s32 s12, s4  }
0x39: {  	[hbm4b:s4+s21] =	stream.strided.scatter [tilespmem:s0], [sflag:s31], $0x6400, s22, s21, $0x38;
	[tilespmem:$0x1F400] =	vst v63  }
0x3a: {  	p1 =	seq.s32 @!p0 s30, $0x0;
	s0 =	sadd.s32 $0x3, s30  }
0x3b: {  	p1 =	por p1, p0;
	s2 =	sand.u32 @!p0 $0x3, s0;
	s0 =	smul.u32 @!p0 $0x640, s0  }
0x3c: {  	s4 =	sadd.s32 @!p1 $0x5, s2;
	s7 =	smul.u32 @!p0 $0x19000, s2  }
0x3d: {  	s30 =	sadd.s32 $0x1, s30;
	s2 =	sadd.s32 @!p0 $0x1, s2;
	_ =	swait.ge @!p1 [sflag:s4], $0x6400  }
0x3e: {  	s0 =	sshra.s32 @!p0 s0, $0x2;
	[sflag:s4] =	ssyncset.done @!p1 $0x0;
	s7 =	sshrl.u32 @!p0 s7, $0x2  }
0x3f: {  	[sflag:s4] =	ssyncadd.s32 @!p1 $0xFFFF9C00;
	s4 =	sadd.s32 @!p0 $0x6400, s7;
	s7 =	simm.s32 @!p0 $0x190  }
0x40: {  	[tilespmem:s4], [sflag:s2] =	stream.indirect.gather @!p0 [hbm4b:s1+s7], $0x40, s0, s7, $0xb8;
	[tilespmem:$0x1F400] =	vst v63  }
0x41: {  	p0 =	sne.s32 s30, $0x40  }
.Ltmp1:
0x42: {  	_ = 	snop;
	(pc) =	sbr.rel @p0 .LBB2_2-.Ltmp1, $2  }
0x43: {  	_ =	sdelay $0x2  }
0x44: {  	s29 =	sadd.s32 $0x1, s29  }
0x45: {  	_ =	swait.ge [sflag:s23], $0x6400  }
0x46: {  	[sflag:s23] =	ssyncset.done $0x0  }
0x47: {  	[sflag:s23] =	ssyncadd.s32 $0xFFFF9C00  }
0x48: {  	_ =	swait.ge [sflag:s24], $0x6400  }
0x49: {  	[sflag:s24] =	ssyncset.done $0x0  }
0x4a: {  	[sflag:s24] =	ssyncadd.s32 $0xFFFF9C00  }
0x4b: {  	_ =	swait.ge [sflag:s25], $0x6400  }
0x4c: {  	[sflag:s25] =	ssyncset.done $0x0  }
0x4d: {  	[sflag:s25] =	ssyncadd.s32 $0xFFFF9C00  }
0x4e: {  	_ =	swait.ge [sflag:s26], $0x6400  }
0x4f: {  	[sflag:s26] =	ssyncset.done $0x0  }
0x50: {  	s29 =	simm.s32 $0x0;
	[sflag:s26] =	ssyncadd.s32 $0xFFFF9C00  }
0x51: {  	[tilespmem:s29], [sflag:$0x9] =	stream.linear.gather [hbm4b:s9+s29], $0x1900, $0x38;
	[tilespmem:$0x1F400] =	vst v63  }
0x52: {  	_ =	swait.ge [sflag:s15], $0x1900  }
0x53: {  	[sflag:s15] =	ssyncset.done $0x0  }
0x54: {  	[sflag:s15] =	ssyncadd.s32 $0xFFFFE700  }
0x55: {  	[tilespmem:s17], [sflag:$0x1] =	stream.indirect.gather [hbm4b:s3+s16], $0x40, s29, s16, $0xb8;
	[tilespmem:$0x1F400] =	vst v63  }
0x56: {  	_ = 	snop  }
0x57: {  	[tilespmem:s18], [sflag:$0x2] =	stream.indirect.gather [hbm4b:s3+s16], $0x40, s16, s16, $0xb8;
	[tilespmem:$0x1F400] =	vst v63  }
0x58: {  	s30 =	simm.s32 $0x0  }
0x59: {  	[tilespmem:s20], [sflag:$0x3] =	stream.indirect.gather [hbm4b:s3+s16], $0x40, s19, s16, $0xb8;
	[tilespmem:$0x1F400] =	vst v63  }
.LBB2_6:
0x5a: {  	s0 =	sand.u32 $0x3, s29;
	s31 =	sand.u32 $0x3, s30  }
0x5b: {  	s0 =	smul.u32 $0x19000, s0;
	s4 =	sadd.s32 $0x1, s31  }
0x5c: {  	_ =	swait.ge [sflag:s4], $0x6400  }
0x5d: {  	s0 =	sshrl.u32 s0, $0x2;
	[sflag:s4] =	ssyncset.done $0x0  }
0x5e: {  	s2 =	sadd.s32 $0x6440, s0;
	[sflag:s4] =	ssyncadd.s32 $0xFFFF9C00  }
0x5f: {  	v2 =	vld [tilespmem:s2+$0xFFFFFFC0]  }
0x60: {  	v3 =	vld [tilespmem:s2+$0xFFFFFFD0]  }
0x61: {  	v4 =	vld [tilespmem:s2+$0xFFFFFFE0]  }
0x62: {  	v1 =	vld [tilespmem:s2+$0x0]  }
0x63: {  	s7 =	smul.u32 $0x19000, s31;
	v0 =	vld [tilespmem:s2+$0x10]  }
0x64: {  	v5 =	vmax.f32 v2, $0.0e+00;
	v2 =	vld [tilespmem:s2+$0x20]  }
0x65: {  	s0 =	sshrl.u32 s7, $0x2;
	[tilespmem:s2+$0xFFFFFFC0] =	vst v5;
	v5 =	vmax.f32 v3, $0.0e+00;
	v3 =	vld [tilespmem:s2+$0x30]  }
0x66: {  	s4 =	simm.s32 $0x0;
	s0 =	sadd.s32 $0x6400, s0;
	s7 =	sadd.s32 $0x80, s2;
	[tilespmem:s2+$0xFFFFFFD0] =	vst v5;
	v5 =	vmax.f32 v4, $0.0e+00;
	v4 =	vld [tilespmem:s2+$0xFFFFFFF0]  }
.LBB2_7:
0x67: {  	v6 =	vld [tilespmem:s7+$0xFFFFFFC0];
	[tilespmem:s2+$0xFFFFFFE0] =	vst v5;
	v1 =	vmax.f32 v1, $0.0e+00  }
0x68: {  	s4 =	sadd.s32 $0x2, s4;
	v5 =	vld [tilespmem:s7+$0xFFFFFFD0];
	[tilespmem:s2+$0x0] =	vst v1;
	v0 =	vmax.f32 v0, $0.0e+00  }
0x69: {  	p0 =	slt.u32 s4, $0x18E;
	v7 =	vld [tilespmem:s7+$0xFFFFFFE0];
	[tilespmem:s2+$0x10] =	vst v0;
	v0 =	vmax.f32 v2, $0.0e+00  }
.Ltmp2:
0x6a: {  	v1 =	vld [tilespmem:s7+$0x0];
	[tilespmem:s2+$0x20] =	vst v0;
	v2 =	vmax.f32 v3, $0.0e+00;
	(pc) =	sbr.rel @p0 .LBB2_7-.Ltmp2, $4  }
0x6b: {  	v0 =	vld [tilespmem:s7+$0x10];
	v3 =	vmax.f32 v4, $0.0e+00;
	[tilespmem:s2+$0x30] =	vst v2  }
0x6c: {  	v4 =	vmax.f32 v6, $0.0e+00;
	v2 =	vld [tilespmem:s7+$0x20];
	[tilespmem:s2+$0xFFFFFFF0] =	vst v3;
	s2 =	smov.u32 s7  }
0x6d: {  	[tilespmem:s7+$0xFFFFFFC0] =	vst v4;
	v4 =	vmax.f32 v5, $0.0e+00;
	v3 =	vld [tilespmem:s7+$0x30]  }
0x6e: {  	s7 =	sadd.s32 $0x80, s7;
	[tilespmem:s2+$0xFFFFFFD0] =	vst v4;
	v5 =	vmax.f32 v7, $0.0e+00;
	v4 =	vld [tilespmem:s2+$0xFFFFFFF0]  }
0x6f: {  	[tilespmem:s2+$0xFFFFFFE0] =	vst v5;
	v1 =	vmax.f32 v1, $0.0e+00;
	s4 =	smul.u32 $0x190, s30  }
0x70: {  	[tilespmem:s2+$0x0] =	vst v1;
	v0 =	vmax.f32 v0, $0.0e+00  }
0x71: {  	[tilespmem:s2+$0x10] =	vst v0;
	v61 =	vmax.f32 v2, $0.0e+00;
	s4 =	sadd.s32 s8, s4  }
0x72: {  	[tilespmem:s2+$0x20] =	vst v61;
	v62 =	vmax.f32 v3, $0.0e+00;
	s4 =	sshll.u32 s4, $0x4  }
0x73: {  	v63 =	vmax.f32 v4, $0.0e+00;
	[tilespmem:s2+$0x30] =	vst v62;
	s4 =	sand.u32 $0x1FFFFF00, s4  }
0x74: {  	s31 =	sadd.s32 $0x5, s31;
	p0 =	sgt.u32 s30, $0xC;
	[tilespmem:s2+$0xFFFFFFF0] =	vst v63;
	s4 =	sadd.s32 s13, s4  }
0x75: {  	[hbm4b:s4+s21] =	stream.strided.scatter [tilespmem:s0], [sflag:s31], $0x6400, s22, s21, $0x38;
	[tilespmem:$0x1F400] =	vst v63  }
0x76: {  	p1 =	seq.s32 @!p0 s30, $0x0;
	s0 =	sadd.s32 $0x3, s30  }
0x77: {  	p1 =	por p1, p0;
	s2 =	sand.u32 @!p0 $0x3, s0;
	s0 =	smul.u32 @!p0 $0x640, s0  }
0x78: {  	s4 =	sadd.s32 @!p1 $0x5, s2;
	s7 =	smul.u32 @!p0 $0x19000, s2  }
0x79: {  	s30 =	sadd.s32 $0x1, s30;
	s2 =	sadd.s32 @!p0 $0x1, s2;
	_ =	swait.ge @!p1 [sflag:s4], $0x6400  }
0x7a: {  	s0 =	sshra.s32 @!p0 s0, $0x2;
	[sflag:s4] =	ssyncset.done @!p1 $0x0;
	s7 =	sshrl.u32 @!p0 s7, $0x2  }
0x7b: {  	[sflag:s4] =	ssyncadd.s32 @!p1 $0xFFFF9C00;
	s4 =	sadd.s32 @!p0 $0x6400, s7;
	s7 =	simm.s32 @!p0 $0x190  }
0x7c: {  	[tilespmem:s4], [sflag:s2] =	stream.indirect.gather @!p0 [hbm4b:s3+s7], $0x40, s0, s7, $0xb8;
	[tilespmem:$0x1F400] =	vst v63  }
0x7d: {  	p0 =	sne.s32 s30, $0x10  }
.Ltmp3:
0x7e: {  	_ = 	snop;
	(pc) =	sbr.rel @p0 .LBB2_6-.Ltmp3, $2  }
0x7f: {  	_ =	sdelay $0x2  }
0x80: {  	s29 =	sadd.s32 $0x1, s29  }
0x81: {  	_ =	swait.ge [sflag:s23], $0x6400  }
0x82: {  	[sflag:s23] =	ssyncset.done $0x0  }
0x83: {  	[sflag:s23] =	ssyncadd.s32 $0xFFFF9C00  }
0x84: {  	_ =	swait.ge [sflag:s24], $0x6400  }
0x85: {  	[sflag:s24] =	ssyncset.done $0x0  }
0x86: {  	[sflag:s24] =	ssyncadd.s32 $0xFFFF9C00  }
0x87: {  	_ =	swait.ge [sflag:s25], $0x6400  }
0x88: {  	[sflag:s25] =	ssyncset.done $0x0  }
0x89: {  	[sflag:s25] =	ssyncadd.s32 $0xFFFF9C00  }
0x8a: {  	_ =	swait.ge [sflag:s26], $0x6400  }
0x8b: {  	[sflag:s26] =	ssyncset.done $0x0  }
0x8c: {  	s29 =	simm.s32 $0x0;
	[sflag:s26] =	ssyncadd.s32 $0xFFFF9C00  }
0x8d: {  	[tilespmem:s29], [sflag:$0x9] =	stream.linear.gather [hbm4b:s10+s29], $0x1900, $0x38;
	[tilespmem:$0x1F400] =	vst v63  }
0x8e: {  	_ =	swait.ge [sflag:s15], $0x1900  }
0x8f: {  	[sflag:s15] =	ssyncset.done $0x0  }
0x90: {  	[sflag:s15] =	ssyncadd.s32 $0xFFFFE700  }
0x91: {  	[tilespmem:s17], [sflag:$0x1] =	stream.indirect.gather [hbm4b:s5+s16], $0x40, s29, s16, $0xb8;
	[tilespmem:$0x1F400] =	vst v63  }
0x92: {  	_ = 	snop  }
0x93: {  	[tilespmem:s18], [sflag:$0x2] =	stream.indirect.gather [hbm4b:s5+s16], $0x40, s16, s16, $0xb8;
	[tilespmem:$0x1F400] =	vst v63  }
0x94: {  	s30 =	simm.s32 $0x0  }
0x95: {  	[tilespmem:s20], [sflag:$0x3] =	stream.indirect.gather [hbm4b:s5+s16], $0x40, s19, s16, $0xb8;
	[tilespmem:$0x1F400] =	vst v63  }
.LBB2_10:
0x96: {  	s0 =	sand.u32 $0x3, s29;
	s31 =	sand.u32 $0x3, s30  }
0x97: {  	s0 =	smul.u32 $0x19000, s0;
	s4 =	sadd.s32 $0x1, s31  }
0x98: {  	_ =	swait.ge [sflag:s4], $0x6400  }
0x99: {  	s0 =	sshrl.u32 s0, $0x2;
	[sflag:s4] =	ssyncset.done $0x0  }
0x9a: {  	s2 =	sadd.s32 $0x6440, s0;
	[sflag:s4] =	ssyncadd.s32 $0xFFFF9C00  }
0x9b: {  	v2 =	vld [tilespmem:s2+$0xFFFFFFC0]  }
0x9c: {  	v3 =	vld [tilespmem:s2+$0xFFFFFFD0]  }
0x9d: {  	v4 =	vld [tilespmem:s2+$0xFFFFFFE0]  }
0x9e: {  	v1 =	vld [tilespmem:s2+$0x0]  }
0x9f: {  	s7 =	smul.u32 $0x19000, s31;
	v0 =	vld [tilespmem:s2+$0x10]  }
0xa0: {  	v5 =	vmax.f32 v2, $0.0e+00;
	v2 =	vld [tilespmem:s2+$0x20]  }
0xa1: {  	s0 =	sshrl.u32 s7, $0x2;
	[tilespmem:s2+$0xFFFFFFC0] =	vst v5;
	v5 =	vmax.f32 v3, $0.0e+00;
	v3 =	vld [tilespmem:s2+$0x30]  }
0xa2: {  	s4 =	simm.s32 $0x0;
	s0 =	sadd.s32 $0x6400, s0;
	s7 =	sadd.s32 $0x80, s2;
	[tilespmem:s2+$0xFFFFFFD0] =	vst v5;
	v5 =	vmax.f32 v4, $0.0e+00;
	v4 =	vld [tilespmem:s2+$0xFFFFFFF0]  }
.LBB2_11:
0xa3: {  	v6 =	vld [tilespmem:s7+$0xFFFFFFC0];
	[tilespmem:s2+$0xFFFFFFE0] =	vst v5;
	v1 =	vmax.f32 v1, $0.0e+00  }
0xa4: {  	s4 =	sadd.s32 $0x2, s4;
	v5 =	vld [tilespmem:s7+$0xFFFFFFD0];
	[tilespmem:s2+$0x0] =	vst v1;
	v0 =	vmax.f32 v0, $0.0e+00  }
0xa5: {  	p0 =	slt.u32 s4, $0x18E;
	v7 =	vld [tilespmem:s7+$0xFFFFFFE0];
	[tilespmem:s2+$0x10] =	vst v0;
	v0 =	vmax.f32 v2, $0.0e+00  }
.Ltmp4:
0xa6: {  	v1 =	vld [tilespmem:s7+$0x0];
	[tilespmem:s2+$0x20] =	vst v0;
	v2 =	vmax.f32 v3, $0.0e+00;
	(pc) =	sbr.rel @p0 .LBB2_11-.Ltmp4, $4  }
0xa7: {  	v0 =	vld [tilespmem:s7+$0x10];
	v3 =	vmax.f32 v4, $0.0e+00;
	[tilespmem:s2+$0x30] =	vst v2  }
0xa8: {  	v4 =	vmax.f32 v6, $0.0e+00;
	v2 =	vld [tilespmem:s7+$0x20];
	[tilespmem:s2+$0xFFFFFFF0] =	vst v3;
	s2 =	smov.u32 s7  }
0xa9: {  	[tilespmem:s7+$0xFFFFFFC0] =	vst v4;
	v4 =	vmax.f32 v5, $0.0e+00;
	v3 =	vld [tilespmem:s7+$0x30]  }
0xaa: {  	s7 =	sadd.s32 $0x80, s7;
	[tilespmem:s2+$0xFFFFFFD0] =	vst v4;
	v5 =	vmax.f32 v7, $0.0e+00;
	v4 =	vld [tilespmem:s2+$0xFFFFFFF0]  }
0xab: {  	[tilespmem:s2+$0xFFFFFFE0] =	vst v5;
	v1 =	vmax.f32 v1, $0.0e+00;
	s4 =	smul.u32 $0x190, s30  }
0xac: {  	[tilespmem:s2+$0x0] =	vst v1;
	v0 =	vmax.f32 v0, $0.0e+00  }
0xad: {  	[tilespmem:s2+$0x10] =	vst v0;
	v61 =	vmax.f32 v2, $0.0e+00;
	s4 =	sadd.s32 s8, s4  }
0xae: {  	[tilespmem:s2+$0x20] =	vst v61;
	v62 =	vmax.f32 v3, $0.0e+00;
	s4 =	sshll.u32 s4, $0x4  }
0xaf: {  	v63 =	vmax.f32 v4, $0.0e+00;
	[tilespmem:s2+$0x30] =	vst v62;
	s4 =	sand.u32 $0x1FFFFF00, s4  }
0xb0: {  	s31 =	sadd.s32 $0x5, s31;
	p0 =	sgt.u32 s30, $0xC;
	[tilespmem:s2+$0xFFFFFFF0] =	vst v63;
	s4 =	sadd.s32 s14, s4  }
0xb1: {  	[hbm4b:s4+s21] =	stream.strided.scatter [tilespmem:s0], [sflag:s31], $0x6400, s22, s21, $0x38;
	[tilespmem:$0x1F400] =	vst v63  }
0xb2: {  	p1 =	seq.s32 @!p0 s30, $0x0;
	s0 =	sadd.s32 $0x3, s30  }
0xb3: {  	p1 =	por p1, p0;
	s2 =	sand.u32 @!p0 $0x3, s0;
	s0 =	smul.u32 @!p0 $0x640, s0  }
0xb4: {  	s4 =	sadd.s32 @!p1 $0x5, s2;
	s7 =	smul.u32 @!p0 $0x19000, s2  }
0xb5: {  	s30 =	sadd.s32 $0x1, s30;
	s2 =	sadd.s32 @!p0 $0x1, s2;
	_ =	swait.ge @!p1 [sflag:s4], $0x6400  }
0xb6: {  	s0 =	sshra.s32 @!p0 s0, $0x2;
	[sflag:s4] =	ssyncset.done @!p1 $0x0;
	s7 =	sshrl.u32 @!p0 s7, $0x2  }
0xb7: {  	[sflag:s4] =	ssyncadd.s32 @!p1 $0xFFFF9C00;
	s4 =	sadd.s32 @!p0 $0x6400, s7;
	s7 =	simm.s32 @!p0 $0x190  }
0xb8: {  	[tilespmem:s4], [sflag:s2] =	stream.indirect.gather @!p0 [hbm4b:s5+s7], $0x40, s0, s7, $0xb8;
	[tilespmem:$0x1F400] =	vst v63  }
0xb9: {  	p0 =	sne.s32 s30, $0x10  }
.Ltmp5:
0xba: {  	_ = 	snop;
	(pc) =	sbr.rel @p0 .LBB2_10-.Ltmp5, $2  }
0xbb: {  	_ =	sdelay $0x2  }
0xbc: {  	s29 =	sadd.s32 $0x1, s29  }
0xbd: {  	_ =	swait.ge [sflag:s23], $0x6400  }
0xbe: {  	[sflag:s23] =	ssyncset.done $0x0  }
0xbf: {  	[sflag:s23] =	ssyncadd.s32 $0xFFFF9C00  }
0xc0: {  	_ =	swait.ge [sflag:s24], $0x6400  }
0xc1: {  	[sflag:s24] =	ssyncset.done $0x0  }
0xc2: {  	s28 =	sadd.s32 $0x1, s28;
	[sflag:s24] =	ssyncadd.s32 $0xFFFF9C00  }
0xc3: {  	p0 =	sne.s32 s28, s11;
	_ =	swait.ge [sflag:s25], $0x6400  }
.Ltmp6:
0xc4: {  	[sflag:s25] =	ssyncset.done $0x0;
	(pc) =	sbr.rel @p0 .LBB2_1-.Ltmp6, $4  }
0xc5: {  	[sflag:s25] =	ssyncadd.s32 $0xFFFF9C00  }
0xc6: {  	_ =	swait.ge [sflag:s26], $0x6400  }
0xc7: {  	[sflag:s26] =	ssyncset.done $0x0  }
0xc8: {  	[sflag:s26] =	ssyncadd.s32 $0xFFFF9C00  }
0xc9: {  	_ =	sfence.sel $0x180000  }
0xca: {  	[bflag:$0x0] =	sbarrier.arrive $0xFFFF  }
0xcb: {  	_ =	strace $0x90000047  }
0xcc: {  	s0 =	stileid.u32;
	[bflag:$0x2] =	sbarrier.arrive $0xFFFF  }
0xcd: {  	p0 =	sne.s32 s0, $0x0;
	s0 =	rddreg [dreg:$0x4]  }
0xce: {  	s0 =	sadd.s32 @!p0 $0x100000, s0  }
0xcf: {  	[sflag:s0] =	ssyncadd.tile.s32 @!p0 $0x1;
	_ =	shalt  }
.Lfunc_end2:
_tile_overlayer_lowered:
.L_overlay_start_2:
0xd0: {  	(tag) =	ssettag $0x2  }
0xd1: {  	s0 =	rddreg [dreg:$0x0];
	s2 =	stileid.u32  }
0xd2: {  	s1 =	rddreg [dreg:$0x1];
	p0 =	sne.s32 s2, $0x0  }
0xd3: {  	s3 =	rddreg [dreg:$0x2];
	[bflag:$0x3] =	sbarrier.arrive $0xFFFF;
	s2 =	simm.s32 @!p0 $0x1C09  }
0xd4: {  	[timem:s3], [sflag:s2] =	dma.local @!p0 [hbm:s0], s1  }
0xd5: {  	s0 =	simm.s32 @!p0 $0x9  }
0xd6: {  	_ =	swait.ge @!p0 [sflag:s0], s1  }
0xd7: {  	s1 =	ssub.s32 @!p0 $0x0, s1;
	[sflag:s0] =	ssyncset.done @!p0 $0x0  }
0xd8: {  	[sflag:s0] =	ssyncadd.s32 @!p0 s1  }
0xd9: {  	[bflag:$0x3] =	sbarrier.arrive $0xFFFF  }
0xda: {  	_ =	shalt  }

</sc_bundles>
